<compile_context>
chip_gen: v7x
topology: tpu7x:2x2x1
jax: 0.10.2.dev20260603
libtpu: 0.0.44.dev20260713+nightly
codegen_flags: <defaults>
</compile_context>

<pallas_src>
import functools

import jax
import jax.numpy as jnp
from jax import lax
from jax.experimental import pallas as pl
from jax.experimental.pallas import tpu as pltpu
from jax.experimental.pallas import tpu_sc as plsc

B = 16384
L = 50
D = 64
N_ROWS = B * L
NC, NS = 2, 16
NW = NC * NS
LP = L // 2
ROWS_PER_W = N_ROWS // NW
CHUNK = 128
N_CHUNKS = ROWS_PER_W // CHUNK

K = 4
NG = N_CHUNKS // K

_sc_mesh = plsc.VectorSubcoreMesh(
    core_axis_name="c", subcore_axis_name="s", num_cores=NC, num_subcores=NS
)


def _make_sc_gather(n_chunks, k):
    ng = n_chunks // k

    @functools.partial(
        pl.kernel,
        out_type=jax.ShapeDtypeStruct((n_chunks * NW * CHUNK, D), jnp.float32),
        mesh=_sc_mesh,
        scratch_types=[
            pltpu.VMEM((n_chunks, CHUNK), jnp.int32),
            pltpu.VMEM((n_chunks, CHUNK), jnp.int32),
            [pltpu.VMEM((CHUNK, D), jnp.float32)] * k,
            [pltpu.VMEM((CHUNK, D), jnp.float32)] * k,
            pltpu.SemaphoreType.DMA,
            pltpu.SemaphoreType.DMA,
            pltpu.SemaphoreType.DMA,
            pltpu.SemaphoreType.DMA,
        ],
        compiler_params=pltpu.CompilerParams(use_tc_tiling_on_sc=False),
    )
    def _sc_gather(table_hbm, idx_hbm, dsti_hbm, out_hbm, idx_v, dsti_v,
                   bank0, bank1, sg0, sg1, sc0, sc1):
        wid = lax.axis_index("s") * NC + lax.axis_index("c")
        banks = (bank0, bank1)
        sg = (sg0, sg1)
        sc = (sc0, sc1)
        pltpu.sync_copy(idx_hbm.at[wid], idx_v)
        pltpu.sync_copy(dsti_hbm.at[wid], dsti_v)

        def fire_gathers(g, bk):
            for i in range(k):
                pltpu.async_copy(
                    table_hbm.at[idx_v.at[g * k + i]], banks[bk][i], sg[bk]
                )

        def drain(bk, sem_bank):
            for i in range(k):
                pltpu.make_async_copy(
                    out_hbm.at[pl.ds(0, CHUNK)], banks[bk][i], sem_bank[bk]
                ).wait()

        def fire_copyouts(g, bk):
            for i in range(k):
                pltpu.async_copy(
                    banks[bk][i],
                    out_hbm.at[dsti_v.at[g * k + i]],
                    sc[bk],
                )

        fire_gathers(0, 0)

        def body(g, carry):
            drain(0, sg)

            @pl.when(g > 0)
            def _():
                drain(1, sc)

            fire_gathers(g + 1, 1)
            fire_copyouts(g, 0)
            drain(1, sg)
            drain(0, sc)

            @pl.when(g + 2 < ng)
            def _():
                fire_gathers(g + 2, 0)

            fire_copyouts(g + 1, 1)
            return carry

        lax.fori_loop(0, ng // 2, lambda t, c: body(t * 2, c), 0)
        drain(1, sc)

    return _sc_gather


_sc_gather_half = _make_sc_gather(N_CHUNKS // 2, 5)


HB = B // 2


def _proj_body(e_ref, bd_ref, b2_ref, out_ref):
    e = e_ref[...].reshape(HB, 2 * D)
    pt = lax.dot_general(
        bd_ref[...], e, (((0,), (1,)), ((), ())),
        preferred_element_type=jnp.float32,
    ) + b2_ref[...]
    out_ref[...] = pt.reshape(2, D, HB)


def _proj_body2(e_ref, bd_ref, b2_ref, prev_ref, out_ref):
    _proj_body(e_ref, bd_ref, b2_ref, out_ref)


def _project_a(emb3, bd, b2):
    return pl.pallas_call(
        _proj_body,
        grid=(LP,),
        in_specs=[
            pl.BlockSpec((1, HB, 2 * D), lambda p: (p, 0, 0)),
            pl.BlockSpec((2 * D, 2 * D), lambda p: (0, 0)),
            pl.BlockSpec((2 * D, 1), lambda p: (0, 0)),
        ],
        out_specs=pl.BlockSpec((2, D, HB), lambda p: (p, 0, 0)),
        out_shape=jax.ShapeDtypeStruct((L, D, B), jnp.float32),
    )(emb3, bd, b2)


def _project_b(emb3, bd, b2, prev):
    return pl.pallas_call(
        _proj_body2,
        grid=(LP,),
        in_specs=[
            pl.BlockSpec((1, HB, 2 * D), lambda p: (p, 0, 0)),
            pl.BlockSpec((2 * D, 2 * D), lambda p: (0, 0)),
            pl.BlockSpec((2 * D, 1), lambda p: (0, 0)),
            pl.BlockSpec(memory_space=pl.ANY),
        ],
        out_specs=pl.BlockSpec((2, D, HB), lambda p: (p, 0, 1)),
        out_shape=jax.ShapeDtypeStruct((L, D, B), jnp.float32),
        input_output_aliases={3: 0},
    )(emb3, bd, b2, prev)


def kernel(x, table, W, b):
    pat = (jnp.arange(L, dtype=jnp.int32) // 2) * (2 * HB) + (
        jnp.arange(L, dtype=jnp.int32) % 2
    )
    dsti = (2 * jnp.arange(HB, dtype=jnp.int32))[:, None] + pat[None, :]
    dsti3 = dsti.reshape(NW, N_CHUNKS // 2, CHUNK)
    xh = x.reshape(2, NW, N_CHUNKS // 2, CHUNK)
    emb_a = _sc_gather_half(table, xh[0], dsti3)
    emb_b = _sc_gather_half(table, xh[1], dsti3)
    wt = W.T
    bd = (
        jnp.zeros((2 * D, 2 * D), jnp.float32)
        .at[:D, :D].set(wt)
        .at[D:, D:].set(wt)
    )
    b2 = jnp.concatenate([b, b]).reshape(2 * D, 1)
    e3a = emb_a.reshape(-1).reshape(LP, HB, 2 * D)
    e3b = emb_b.reshape(-1).reshape(LP, HB, 2 * D)
    out3 = _project_a(e3a, bd, b2)
    out3 = _project_b(e3b, bd, b2, out3)
    return jnp.transpose(out3, (2, 0, 1))

# --- scband reference (transcript-rebuilt; emitter-appended) ---
"""Pipeline reference for scband-final-embedding-89833535963512 (READ-ONLY COPY).

The authoritative reference and input builder live on the scoring server;
editing this copy changes nothing except your own understanding.
"""

import jax, jax.numpy as jnp
import numpy as np

VOCAB = 1000000
D_PRE = 64
D_OUT = 64
B = 16384
L = 50

def setup_inputs(seed: int = 0) -> dict:
    key = jax.random.key(seed)
    k1, k2, k3 = jax.random.split(key, 3)
    # indices into the pretrained embedding table
    x = jax.random.randint(k1, (B, L), 0, VOCAB, dtype=jnp.int32)
    # pretrained embedding table (field.vocab.vectors)
    table = jax.random.normal(k2, (VOCAB, D_PRE), dtype=jnp.float32) * 0.02
    # projection Feedforward: Linear(D_PRE -> D_OUT), identity activation, dropout=0.0
    W = jax.random.normal(k3, (D_OUT, D_PRE), dtype=jnp.float32) * (1.0 / np.sqrt(D_PRE))
    b = jnp.zeros((D_OUT,), dtype=jnp.float32)
    return {"x": x, "table": table, "W": W, "b": b}

def reference(x, table, W, b):
    # pretrained_embeddings(x): gather rows of table
    emb = jnp.take(table, x, axis=0)  # [B, L, D_PRE]
    # Feedforward projection: dropout(p=0.0) is identity, activation is identity
    # Linear flattens leading dims, applies affine, reshapes back
    flat = emb.reshape(-1, D_PRE)
    proj = flat @ W.T + b
    out = proj.reshape(B, L, D_OUT)
    # final dropout(p=0.0) is identity
    return out

if __name__ == "__main__":
    import jax
    _d = setup_inputs()
    print(jax.jit(kernel)(*tuple(_d.values())))

</pallas_src>

<mosaic_0001>
#map = affine_map<(d0, d1) -> (0, 0)>
#map1 = affine_map<(d0, d1) -> (0, 0, 0)>
module attributes {stable_mosaic.version = 14 : i64} {
  func.func @_sc_gather(%arg0: i32, %arg1: i32, %arg2: memref<1000000x64xf32, #tpu.memory_space<hbm>>, %arg3: memref<32x100x128xi32, #tpu.memory_space<hbm>>, %arg4: memref<32x100x128xi32, #tpu.memory_space<hbm>>, %arg5: memref<409600x64xf32, #tpu.memory_space<hbm>>, %arg6: memref<100x128xi32, #tpu.memory_space<vmem>>, %arg7: memref<100x128xi32, #tpu.memory_space<vmem>>, %arg8: memref<128x64xf32, #tpu.memory_space<vmem>>, %arg9: memref<128x64xf32, #tpu.memory_space<vmem>>, %arg10: memref<128x64xf32, #tpu.memory_space<vmem>>, %arg11: memref<128x64xf32, #tpu.memory_space<vmem>>, %arg12: memref<128x64xf32, #tpu.memory_space<vmem>>, %arg13: memref<128x64xf32, #tpu.memory_space<vmem>>, %arg14: memref<128x64xf32, #tpu.memory_space<vmem>>, %arg15: memref<128x64xf32, #tpu.memory_space<vmem>>, %arg16: memref<128x64xf32, #tpu.memory_space<vmem>>, %arg17: memref<128x64xf32, #tpu.memory_space<vmem>>, %arg18: memref<!tpu.dma_semaphore, #tpu.memory_space<semaphore_mem>>, %arg19: memref<!tpu.dma_semaphore, #tpu.memory_space<semaphore_mem>>, %arg20: memref<!tpu.dma_semaphore, #tpu.memory_space<semaphore_mem>>, %arg21: memref<!tpu.dma_semaphore, #tpu.memory_space<semaphore_mem>>) attributes {dimension_semantics = [#tpu.dimension_semantics<core_parallel>, #tpu.dimension_semantics<subcore_parallel>], iteration_bounds = array<i64: 2, 16>, scalar_prefetch = 0 : i64, scratch_operands = 16 : i64, tpu.core_type = #tpu.core_type<sc_vector_subcore>, window_params = [{transform_indices = #map}, {transform_indices = #map1}, {transform_indices = #map1}, {transform_indices = #map}]} {
    %mul3A = arith.constant 2 : i32
    %mul3A_0 = arith.muli %arg1, %mul3A : i32
    %add3A = arith.addi %mul3A_0, %arg0 : i32
    "tpu.region"() ({
      %run_scoped3A = tpu.sem_alloc : memref<!tpu.dma_semaphore, #tpu.memory_space<semaphore_mem>>
      %dma_start3A_69 = arith.constant 0 : i32
      %dma_start3A_70 = arith.constant 0 : i32
      %dma_start3A_71 = tpu.memref_slice %arg3[%add3A, %dma_start3A_69, %dma_start3A_70] : memref<32x100x128xi32, #tpu.memory_space<hbm>> -> memref<1x100x128xi32, #tpu.memory_space<hbm>>
      %dma_start3A_72 = tpu.memref_squeeze %dma_start3A_71 : memref<1x100x128xi32, #tpu.memory_space<hbm>> -> memref<100x128xi32, #tpu.memory_space<hbm>>
      %dma_start3A_73 = arith.constant 0 : i32
      %dma_start3A_74 = arith.constant 0 : i32
      %dma_start3A_75 = tpu.memref_slice %arg3[%add3A, %dma_start3A_73, %dma_start3A_74] : memref<32x100x128xi32, #tpu.memory_space<hbm>> -> memref<1x100x128xi32, #tpu.memory_space<hbm>>
      %dma_start3A_76 = tpu.memref_squeeze %dma_start3A_75 : memref<1x100x128xi32, #tpu.memory_space<hbm>> -> memref<100x128xi32, #tpu.memory_space<hbm>>
      tpu.enqueue_dma source(%dma_start3A_76 : memref<100x128xi32, #tpu.memory_space<hbm>>) target(%arg6 : memref<100x128xi32, #tpu.memory_space<vmem>>) target_semaphore(%run_scoped3A : memref<!tpu.dma_semaphore, #tpu.memory_space<semaphore_mem>>)
      %dma_wait3A_77 = arith.constant 0 : i32
      %dma_wait3A_78 = arith.constant 0 : i32
      %dma_wait3A_79 = tpu.memref_slice %arg3[%add3A, %dma_wait3A_77, %dma_wait3A_78] : memref<32x100x128xi32, #tpu.memory_space<hbm>> -> memref<1x100x128xi32, #tpu.memory_space<hbm>>
      %dma_wait3A_80 = tpu.memref_squeeze %dma_wait3A_79 : memref<1x100x128xi32, #tpu.memory_space<hbm>> -> memref<100x128xi32, #tpu.memory_space<hbm>>
      %dma_wait3A_81 = arith.constant 0 : i32
      %dma_wait3A_82 = arith.constant 0 : i32
      %dma_wait3A_83 = tpu.memref_slice %arg3[%add3A, %dma_wait3A_81, %dma_wait3A_82] : memref<32x100x128xi32, #tpu.memory_space<hbm>> -> memref<1x100x128xi32, #tpu.memory_space<hbm>>
      %dma_wait3A_84 = tpu.memref_squeeze %dma_wait3A_83 : memref<1x100x128xi32, #tpu.memory_space<hbm>> -> memref<100x128xi32, #tpu.memory_space<hbm>>
      tpu.wait_dma2 semaphore(%run_scoped3A : memref<!tpu.dma_semaphore, #tpu.memory_space<semaphore_mem>>) src(%dma_wait3A_84 : memref<100x128xi32, #tpu.memory_space<hbm>>) dst(%arg6 : memref<100x128xi32, #tpu.memory_space<vmem>>)
      tpu.yield
    }) : () -> ()
    "tpu.region"() ({
      %run_scoped3A = tpu.sem_alloc : memref<!tpu.dma_semaphore, #tpu.memory_space<semaphore_mem>>
      %dma_start3A_69 = arith.constant 0 : i32
      %dma_start3A_70 = arith.constant 0 : i32
      %dma_start3A_71 = tpu.memref_slice %arg4[%add3A, %dma_start3A_69, %dma_start3A_70] : memref<32x100x128xi32, #tpu.memory_space<hbm>> -> memref<1x100x128xi32, #tpu.memory_space<hbm>>
      %dma_start3A_72 = tpu.memref_squeeze %dma_start3A_71 : memref<1x100x128xi32, #tpu.memory_space<hbm>> -> memref<100x128xi32, #tpu.memory_space<hbm>>
      %dma_start3A_73 = arith.constant 0 : i32
      %dma_start3A_74 = arith.constant 0 : i32
      %dma_start3A_75 = tpu.memref_slice %arg4[%add3A, %dma_start3A_73, %dma_start3A_74] : memref<32x100x128xi32, #tpu.memory_space<hbm>> -> memref<1x100x128xi32, #tpu.memory_space<hbm>>
      %dma_start3A_76 = tpu.memref_squeeze %dma_start3A_75 : memref<1x100x128xi32, #tpu.memory_space<hbm>> -> memref<100x128xi32, #tpu.memory_space<hbm>>
      tpu.enqueue_dma source(%dma_start3A_76 : memref<100x128xi32, #tpu.memory_space<hbm>>) target(%arg7 : memref<100x128xi32, #tpu.memory_space<vmem>>) target_semaphore(%run_scoped3A : memref<!tpu.dma_semaphore, #tpu.memory_space<semaphore_mem>>)
      %dma_wait3A_77 = arith.constant 0 : i32
      %dma_wait3A_78 = arith.constant 0 : i32
      %dma_wait3A_79 = tpu.memref_slice %arg4[%add3A, %dma_wait3A_77, %dma_wait3A_78] : memref<32x100x128xi32, #tpu.memory_space<hbm>> -> memref<1x100x128xi32, #tpu.memory_space<hbm>>
      %dma_wait3A_80 = tpu.memref_squeeze %dma_wait3A_79 : memref<1x100x128xi32, #tpu.memory_space<hbm>> -> memref<100x128xi32, #tpu.memory_space<hbm>>
      %dma_wait3A_81 = arith.constant 0 : i32
      %dma_wait3A_82 = arith.constant 0 : i32
      %dma_wait3A_83 = tpu.memref_slice %arg4[%add3A, %dma_wait3A_81, %dma_wait3A_82] : memref<32x100x128xi32, #tpu.memory_space<hbm>> -> memref<1x100x128xi32, #tpu.memory_space<hbm>>
      %dma_wait3A_84 = tpu.memref_squeeze %dma_wait3A_83 : memref<1x100x128xi32, #tpu.memory_space<hbm>> -> memref<100x128xi32, #tpu.memory_space<hbm>>
      tpu.wait_dma2 semaphore(%run_scoped3A : memref<!tpu.dma_semaphore, #tpu.memory_space<semaphore_mem>>) src(%dma_wait3A_84 : memref<100x128xi32, #tpu.memory_space<hbm>>) dst(%arg7 : memref<100x128xi32, #tpu.memory_space<vmem>>)
      tpu.yield
    }) : () -> ()
    %dma_start3A = arith.constant 0 : i32
    %dma_start3A_1 = arith.constant 0 : i32
    %dma_start3A_2 = tpu.memref_slice %arg6[%dma_start3A, %dma_start3A_1] : memref<100x128xi32, #tpu.memory_space<vmem>> -> memref<1x128xi32, #tpu.memory_space<vmem>>
    %dma_start3A_3 = tpu.memref_squeeze %dma_start3A_2 : memref<1x128xi32, #tpu.memory_space<vmem>> -> memref<128xi32, #tpu.memory_space<vmem>>
    %dma_start3A_4 = arith.constant 0 : i32
    %dma_start3A_5 = arith.constant 0 : i32
    %dma_start3A_6 = tpu.memref_slice %arg2[%dma_start3A_4, %dma_start3A_5] : memref<1000000x64xf32, #tpu.memory_space<hbm>> -> memref<1000000x64xf32, #tpu.memory_space<hbm>>
    tpu.enqueue_indirect_dma source(%dma_start3A_6 : memref<1000000x64xf32, #tpu.memory_space<hbm>>) target(%arg8 : memref<128x64xf32, #tpu.memory_space<vmem>>) offsets(%dma_start3A_3 : memref<128xi32, #tpu.memory_space<vmem>>) semaphore(%arg18 : memref<!tpu.dma_semaphore, #tpu.memory_space<semaphore_mem>>)
    %dma_start3A_7 = arith.constant 1 : i32
    %dma_start3A_8 = arith.constant 0 : i32
    %dma_start3A_9 = tpu.memref_slice %arg6[%dma_start3A_7, %dma_start3A_8] : memref<100x128xi32, #tpu.memory_space<vmem>> -> memref<1x128xi32, #tpu.memory_space<vmem>>
    %dma_start3A_10 = tpu.memref_squeeze %dma_start3A_9 : memref<1x128xi32, #tpu.memory_space<vmem>> -> memref<128xi32, #tpu.memory_space<vmem>>
    %dma_start3A_11 = arith.constant 0 : i32
    %dma_start3A_12 = arith.constant 0 : i32
    %dma_start3A_13 = tpu.memref_slice %arg2[%dma_start3A_11, %dma_start3A_12] : memref<1000000x64xf32, #tpu.memory_space<hbm>> -> memref<1000000x64xf32, #tpu.memory_space<hbm>>
    tpu.enqueue_indirect_dma source(%dma_start3A_13 : memref<1000000x64xf32, #tpu.memory_space<hbm>>) target(%arg9 : memref<128x64xf32, #tpu.memory_space<vmem>>) offsets(%dma_start3A_10 : memref<128xi32, #tpu.memory_space<vmem>>) semaphore(%arg18 : memref<!tpu.dma_semaphore, #tpu.memory_space<semaphore_mem>>)
    %dma_start3A_14 = arith.constant 2 : i32
    %dma_start3A_15 = arith.constant 0 : i32
    %dma_start3A_16 = tpu.memref_slice %arg6[%dma_start3A_14, %dma_start3A_15] : memref<100x128xi32, #tpu.memory_space<vmem>> -> memref<1x128xi32, #tpu.memory_space<vmem>>
    %dma_start3A_17 = tpu.memref_squeeze %dma_start3A_16 : memref<1x128xi32, #tpu.memory_space<vmem>> -> memref<128xi32, #tpu.memory_space<vmem>>
    %dma_start3A_18 = arith.constant 0 : i32
    %dma_start3A_19 = arith.constant 0 : i32
    %dma_start3A_20 = tpu.memref_slice %arg2[%dma_start3A_18, %dma_start3A_19] : memref<1000000x64xf32, #tpu.memory_space<hbm>> -> memref<1000000x64xf32, #tpu.memory_space<hbm>>
    tpu.enqueue_indirect_dma source(%dma_start3A_20 : memref<1000000x64xf32, #tpu.memory_space<hbm>>) target(%arg10 : memref<128x64xf32, #tpu.memory_space<vmem>>) offsets(%dma_start3A_17 : memref<128xi32, #tpu.memory_space<vmem>>) semaphore(%arg18 : memref<!tpu.dma_semaphore, #tpu.memory_space<semaphore_mem>>)
    %dma_start3A_21 = arith.constant 3 : i32
    %dma_start3A_22 = arith.constant 0 : i32
    %dma_start3A_23 = tpu.memref_slice %arg6[%dma_start3A_21, %dma_start3A_22] : memref<100x128xi32, #tpu.memory_space<vmem>> -> memref<1x128xi32, #tpu.memory_space<vmem>>
    %dma_start3A_24 = tpu.memref_squeeze %dma_start3A_23 : memref<1x128xi32, #tpu.memory_space<vmem>> -> memref<128xi32, #tpu.memory_space<vmem>>
    %dma_start3A_25 = arith.constant 0 : i32
    %dma_start3A_26 = arith.constant 0 : i32
    %dma_start3A_27 = tpu.memref_slice %arg2[%dma_start3A_25, %dma_start3A_26] : memref<1000000x64xf32, #tpu.memory_space<hbm>> -> memref<1000000x64xf32, #tpu.memory_space<hbm>>
    tpu.enqueue_indirect_dma source(%dma_start3A_27 : memref<1000000x64xf32, #tpu.memory_space<hbm>>) target(%arg11 : memref<128x64xf32, #tpu.memory_space<vmem>>) offsets(%dma_start3A_24 : memref<128xi32, #tpu.memory_space<vmem>>) semaphore(%arg18 : memref<!tpu.dma_semaphore, #tpu.memory_space<semaphore_mem>>)
    %dma_start3A_28 = arith.constant 4 : i32
    %dma_start3A_29 = arith.constant 0 : i32
    %dma_start3A_30 = tpu.memref_slice %arg6[%dma_start3A_28, %dma_start3A_29] : memref<100x128xi32, #tpu.memory_space<vmem>> -> memref<1x128xi32, #tpu.memory_space<vmem>>
    %dma_start3A_31 = tpu.memref_squeeze %dma_start3A_30 : memref<1x128xi32, #tpu.memory_space<vmem>> -> memref<128xi32, #tpu.memory_space<vmem>>
    %dma_start3A_32 = arith.constant 0 : i32
    %dma_start3A_33 = arith.constant 0 : i32
    %dma_start3A_34 = tpu.memref_slice %arg2[%dma_start3A_32, %dma_start3A_33] : memref<1000000x64xf32, #tpu.memory_space<hbm>> -> memref<1000000x64xf32, #tpu.memory_space<hbm>>
    tpu.enqueue_indirect_dma source(%dma_start3A_34 : memref<1000000x64xf32, #tpu.memory_space<hbm>>) target(%arg12 : memref<128x64xf32, #tpu.memory_space<vmem>>) offsets(%dma_start3A_31 : memref<128xi32, #tpu.memory_space<vmem>>) semaphore(%arg18 : memref<!tpu.dma_semaphore, #tpu.memory_space<semaphore_mem>>)
    %scan3A = arith.constant 0 : i32
    %scan3A_35 = arith.constant 0 : i32
    %scan3A_36 = arith.constant 10 : i32
    %scan3A_37 = arith.addi %scan3A_35, %scan3A_36 : i32
    %scan3A_38 = arith.constant 1 : i32
    scf.for %scan3A_69 = %scan3A_35 to %scan3A_37 step %scan3A_38  : i32 {
      %mul3A_70 = arith.constant 2 : i32
      %mul3A_71 = arith.muli %scan3A_69, %mul3A_70 : i32
      %dma_wait3A_72 = arith.constant 0 : i32
      %dma_wait3A_73 = arith.constant 0 : i32
      %dma_wait3A_74 = tpu.memref_slice %arg5[%dma_wait3A_72, %dma_wait3A_73] : memref<409600x64xf32, #tpu.memory_space<hbm>> -> memref<128x64xf32, #tpu.memory_space<hbm>>
      %dma_wait3A_75 = arith.constant 0 : i32
      %dma_wait3A_76 = arith.constant 0 : i32
      %dma_wait3A_77 = tpu.memref_slice %arg5[%dma_wait3A_75, %dma_wait3A_76] : memref<409600x64xf32, #tpu.memory_space<hbm>> -> memref<128x64xf32, #tpu.memory_space<hbm>>
      tpu.wait_dma2 semaphore(%arg18 : memref<!tpu.dma_semaphore, #tpu.memory_space<semaphore_mem>>) src(%dma_wait3A_77 : memref<128x64xf32, #tpu.memory_space<hbm>>) dst(%arg8 : memref<128x64xf32, #tpu.memory_space<vmem>>)
      %dma_wait3A_78 = arith.constant 0 : i32
      %dma_wait3A_79 = arith.constant 0 : i32
      %dma_wait3A_80 = tpu.memref_slice %arg5[%dma_wait3A_78, %dma_wait3A_79] : memref<409600x64xf32, #tpu.memory_space<hbm>> -> memref<128x64xf32, #tpu.memory_space<hbm>>
      %dma_wait3A_81 = arith.constant 0 : i32
      %dma_wait3A_82 = arith.constant 0 : i32
      %dma_wait3A_83 = tpu.memref_slice %arg5[%dma_wait3A_81, %dma_wait3A_82] : memref<409600x64xf32, #tpu.memory_space<hbm>> -> memref<128x64xf32, #tpu.memory_space<hbm>>
      tpu.wait_dma2 semaphore(%arg18 : memref<!tpu.dma_semaphore, #tpu.memory_space<semaphore_mem>>) src(%dma_wait3A_83 : memref<128x64xf32, #tpu.memory_space<hbm>>) dst(%arg9 : memref<128x64xf32, #tpu.memory_space<vmem>>)
      %dma_wait3A_84 = arith.constant 0 : i32
      %dma_wait3A_85 = arith.constant 0 : i32
      %dma_wait3A_86 = tpu.memref_slice %arg5[%dma_wait3A_84, %dma_wait3A_85] : memref<409600x64xf32, #tpu.memory_space<hbm>> -> memref<128x64xf32, #tpu.memory_space<hbm>>
      %dma_wait3A_87 = arith.constant 0 : i32
      %dma_wait3A_88 = arith.constant 0 : i32
      %dma_wait3A_89 = tpu.memref_slice %arg5[%dma_wait3A_87, %dma_wait3A_88] : memref<409600x64xf32, #tpu.memory_space<hbm>> -> memref<128x64xf32, #tpu.memory_space<hbm>>
      tpu.wait_dma2 semaphore(%arg18 : memref<!tpu.dma_semaphore, #tpu.memory_space<semaphore_mem>>) src(%dma_wait3A_89 : memref<128x64xf32, #tpu.memory_space<hbm>>) dst(%arg10 : memref<128x64xf32, #tpu.memory_space<vmem>>)
      %dma_wait3A_90 = arith.constant 0 : i32
      %dma_wait3A_91 = arith.constant 0 : i32
      %dma_wait3A_92 = tpu.memref_slice %arg5[%dma_wait3A_90, %dma_wait3A_91] : memref<409600x64xf32, #tpu.memory_space<hbm>> -> memref<128x64xf32, #tpu.memory_space<hbm>>
      %dma_wait3A_93 = arith.constant 0 : i32
      %dma_wait3A_94 = arith.constant 0 : i32
      %dma_wait3A_95 = tpu.memref_slice %arg5[%dma_wait3A_93, %dma_wait3A_94] : memref<409600x64xf32, #tpu.memory_space<hbm>> -> memref<128x64xf32, #tpu.memory_space<hbm>>
      tpu.wait_dma2 semaphore(%arg18 : memref<!tpu.dma_semaphore, #tpu.memory_space<semaphore_mem>>) src(%dma_wait3A_95 : memref<128x64xf32, #tpu.memory_space<hbm>>) dst(%arg11 : memref<128x64xf32, #tpu.memory_space<vmem>>)
      %dma_wait3A_96 = arith.constant 0 : i32
      %dma_wait3A_97 = arith.constant 0 : i32
      %dma_wait3A_98 = tpu.memref_slice %arg5[%dma_wait3A_96, %dma_wait3A_97] : memref<409600x64xf32, #tpu.memory_space<hbm>> -> memref<128x64xf32, #tpu.memory_space<hbm>>
      %dma_wait3A_99 = arith.constant 0 : i32
      %dma_wait3A_100 = arith.constant 0 : i32
      %dma_wait3A_101 = tpu.memref_slice %arg5[%dma_wait3A_99, %dma_wait3A_100] : memref<409600x64xf32, #tpu.memory_space<hbm>> -> memref<128x64xf32, #tpu.memory_space<hbm>>
      tpu.wait_dma2 semaphore(%arg18 : memref<!tpu.dma_semaphore, #tpu.memory_space<semaphore_mem>>) src(%dma_wait3A_101 : memref<128x64xf32, #tpu.memory_space<hbm>>) dst(%arg12 : memref<128x64xf32, #tpu.memory_space<vmem>>)
      %gt3A = arith.constant 0 : i32
      %gt3A_102 = arith.cmpi sgt, %mul3A_71, %gt3A : i32
      %convert_element_type3A = arith.extui %gt3A_102 : i1 to i32
      %cond3A = arith.constant 0 : i32
      %cond3A_103 = arith.cmpi ne, %convert_element_type3A, %cond3A : i32
      scf.if %cond3A_103 {
        %dma_wait3A_324 = arith.constant 0 : i32
        %dma_wait3A_325 = arith.constant 0 : i32
        %dma_wait3A_326 = tpu.memref_slice %arg5[%dma_wait3A_324, %dma_wait3A_325] : memref<409600x64xf32, #tpu.memory_space<hbm>> -> memref<128x64xf32, #tpu.memory_space<hbm>>
        %dma_wait3A_327 = arith.constant 0 : i32
        %dma_wait3A_328 = arith.constant 0 : i32
        %dma_wait3A_329 = tpu.memref_slice %arg5[%dma_wait3A_327, %dma_wait3A_328] : memref<409600x64xf32, #tpu.memory_space<hbm>> -> memref<128x64xf32, #tpu.memory_space<hbm>>
        tpu.wait_dma2 semaphore(%arg21 : memref<!tpu.dma_semaphore, #tpu.memory_space<semaphore_mem>>) src(%dma_wait3A_329 : memref<128x64xf32, #tpu.memory_space<hbm>>) dst(%arg13 : memref<128x64xf32, #tpu.memory_space<vmem>>)
        %dma_wait3A_330 = arith.constant 0 : i32
        %dma_wait3A_331 = arith.constant 0 : i32
        %dma_wait3A_332 = tpu.memref_slice %arg5[%dma_wait3A_330, %dma_wait3A_331] : memref<409600x64xf32, #tpu.memory_space<hbm>> -> memref<128x64xf32, #tpu.memory_space<hbm>>
        %dma_wait3A_333 = arith.constant 0 : i32
        %dma_wait3A_334 = arith.constant 0 : i32
        %dma_wait3A_335 = tpu.memref_slice %arg5[%dma_wait3A_333, %dma_wait3A_334] : memref<409600x64xf32, #tpu.memory_space<hbm>> -> memref<128x64xf32, #tpu.memory_space<hbm>>
        tpu.wait_dma2 semaphore(%arg21 : memref<!tpu.dma_semaphore, #tpu.memory_space<semaphore_mem>>) src(%dma_wait3A_335 : memref<128x64xf32, #tpu.memory_space<hbm>>) dst(%arg14 : memref<128x64xf32, #tpu.memory_space<vmem>>)
        %dma_wait3A_336 = arith.constant 0 : i32
        %dma_wait3A_337 = arith.constant 0 : i32
        %dma_wait3A_338 = tpu.memref_slice %arg5[%dma_wait3A_336, %dma_wait3A_337] : memref<409600x64xf32, #tpu.memory_space<hbm>> -> memref<128x64xf32, #tpu.memory_space<hbm>>
        %dma_wait3A_339 = arith.constant 0 : i32
        %dma_wait3A_340 = arith.constant 0 : i32
        %dma_wait3A_341 = tpu.memref_slice %arg5[%dma_wait3A_339, %dma_wait3A_340] : memref<409600x64xf32, #tpu.memory_space<hbm>> -> memref<128x64xf32, #tpu.memory_space<hbm>>
        tpu.wait_dma2 semaphore(%arg21 : memref<!tpu.dma_semaphore, #tpu.memory_space<semaphore_mem>>) src(%dma_wait3A_341 : memref<128x64xf32, #tpu.memory_space<hbm>>) dst(%arg15 : memref<128x64xf32, #tpu.memory_space<vmem>>)
        %dma_wait3A_342 = arith.constant 0 : i32
        %dma_wait3A_343 = arith.constant 0 : i32
        %dma_wait3A_344 = tpu.memref_slice %arg5[%dma_wait3A_342, %dma_wait3A_343] : memref<409600x64xf32, #tpu.memory_space<hbm>> -> memref<128x64xf32, #tpu.memory_space<hbm>>
        %dma_wait3A_345 = arith.constant 0 : i32
        %dma_wait3A_346 = arith.constant 0 : i32
        %dma_wait3A_347 = tpu.memref_slice %arg5[%dma_wait3A_345, %dma_wait3A_346] : memref<409600x64xf32, #tpu.memory_space<hbm>> -> memref<128x64xf32, #tpu.memory_space<hbm>>
        tpu.wait_dma2 semaphore(%arg21 : memref<!tpu.dma_semaphore, #tpu.memory_space<semaphore_mem>>) src(%dma_wait3A_347 : memref<128x64xf32, #tpu.memory_space<hbm>>) dst(%arg16 : memref<128x64xf32, #tpu.memory_space<vmem>>)
        %dma_wait3A_348 = arith.constant 0 : i32
        %dma_wait3A_349 = arith.constant 0 : i32
        %dma_wait3A_350 = tpu.memref_slice %arg5[%dma_wait3A_348, %dma_wait3A_349] : memref<409600x64xf32, #tpu.memory_space<hbm>> -> memref<128x64xf32, #tpu.memory_space<hbm>>
        %dma_wait3A_351 = arith.constant 0 : i32
        %dma_wait3A_352 = arith.constant 0 : i32
        %dma_wait3A_353 = tpu.memref_slice %arg5[%dma_wait3A_351, %dma_wait3A_352] : memref<409600x64xf32, #tpu.memory_space<hbm>> -> memref<128x64xf32, #tpu.memory_space<hbm>>
        tpu.wait_dma2 semaphore(%arg21 : memref<!tpu.dma_semaphore, #tpu.memory_space<semaphore_mem>>) src(%dma_wait3A_353 : memref<128x64xf32, #tpu.memory_space<hbm>>) dst(%arg17 : memref<128x64xf32, #tpu.memory_space<vmem>>)
      } else {
      }
      %add3A_104 = arith.constant 1 : i32
      %add3A_105 = arith.addi %mul3A_71, %add3A_104 : i32
      %mul3A_106 = arith.constant 5 : i32
      %mul3A_107 = arith.muli %add3A_105, %mul3A_106 : i32
      %add3A_108 = arith.constant 0 : i32
      %add3A_109 = arith.addi %mul3A_107, %add3A_108 : i32
      %dma_start3A_110 = arith.constant 0 : i32
      %dma_start3A_111 = tpu.memref_slice %arg6[%add3A_109, %dma_start3A_110] : memref<100x128xi32, #tpu.memory_space<vmem>> -> memref<1x128xi32, #tpu.memory_space<vmem>>
      %dma_start3A_112 = tpu.memref_squeeze %dma_start3A_111 : memref<1x128xi32, #tpu.memory_space<vmem>> -> memref<128xi32, #tpu.memory_space<vmem>>
      %dma_start3A_113 = arith.constant 0 : i32
      %dma_start3A_114 = arith.constant 0 : i32
      %dma_start3A_115 = tpu.memref_slice %arg2[%dma_start3A_113, %dma_start3A_114] : memref<1000000x64xf32, #tpu.memory_space<hbm>> -> memref<1000000x64xf32, #tpu.memory_space<hbm>>
      tpu.enqueue_indirect_dma source(%dma_start3A_115 : memref<1000000x64xf32, #tpu.memory_space<hbm>>) target(%arg13 : memref<128x64xf32, #tpu.memory_space<vmem>>) offsets(%dma_start3A_112 : memref<128xi32, #tpu.memory_space<vmem>>) semaphore(%arg19 : memref<!tpu.dma_semaphore, #tpu.memory_space<semaphore_mem>>)
      %mul3A_116 = arith.constant 5 : i32
      %mul3A_117 = arith.muli %add3A_105, %mul3A_116 : i32
      %add3A_118 = arith.constant 1 : i32
      %add3A_119 = arith.addi %mul3A_117, %add3A_118 : i32
      %dma_start3A_120 = arith.constant 0 : i32
      %dma_start3A_121 = tpu.memref_slice %arg6[%add3A_119, %dma_start3A_120] : memref<100x128xi32, #tpu.memory_space<vmem>> -> memref<1x128xi32, #tpu.memory_space<vmem>>
      %dma_start3A_122 = tpu.memref_squeeze %dma_start3A_121 : memref<1x128xi32, #tpu.memory_space<vmem>> -> memref<128xi32, #tpu.memory_space<vmem>>
      %dma_start3A_123 = arith.constant 0 : i32
      %dma_start3A_124 = arith.constant 0 : i32
      %dma_start3A_125 = tpu.memref_slice %arg2[%dma_start3A_123, %dma_start3A_124] : memref<1000000x64xf32, #tpu.memory_space<hbm>> -> memref<1000000x64xf32, #tpu.memory_space<hbm>>
      tpu.enqueue_indirect_dma source(%dma_start3A_125 : memref<1000000x64xf32, #tpu.memory_space<hbm>>) target(%arg14 : memref<128x64xf32, #tpu.memory_space<vmem>>) offsets(%dma_start3A_122 : memref<128xi32, #tpu.memory_space<vmem>>) semaphore(%arg19 : memref<!tpu.dma_semaphore, #tpu.memory_space<semaphore_mem>>)
      %mul3A_126 = arith.constant 5 : i32
      %mul3A_127 = arith.muli %add3A_105, %mul3A_126 : i32
      %add3A_128 = arith.constant 2 : i32
      %add3A_129 = arith.addi %mul3A_127, %add3A_128 : i32
      %dma_start3A_130 = arith.constant 0 : i32
      %dma_start3A_131 = tpu.memref_slice %arg6[%add3A_129, %dma_start3A_130] : memref<100x128xi32, #tpu.memory_space<vmem>> -> memref<1x128xi32, #tpu.memory_space<vmem>>
      %dma_start3A_132 = tpu.memref_squeeze %dma_start3A_131 : memref<1x128xi32, #tpu.memory_space<vmem>> -> memref<128xi32, #tpu.memory_space<vmem>>
      %dma_start3A_133 = arith.constant 0 : i32
      %dma_start3A_134 = arith.constant 0 : i32
      %dma_start3A_135 = tpu.memref_slice %arg2[%dma_start3A_133, %dma_start3A_134] : memref<1000000x64xf32, #tpu.memory_space<hbm>> -> memref<1000000x64xf32, #tpu.memory_space<hbm>>
      tpu.enqueue_indirect_dma source(%dma_start3A_135 : memref<1000000x64xf32, #tpu.memory_space<hbm>>) target(%arg15 : memref<128x64xf32, #tpu.memory_space<vmem>>) offsets(%dma_start3A_132 : memref<128xi32, #tpu.memory_space<vmem>>) semaphore(%arg19 : memref<!tpu.dma_semaphore, #tpu.memory_space<semaphore_mem>>)
      %mul3A_136 = arith.constant 5 : i32
      %mul3A_137 = arith.muli %add3A_105, %mul3A_136 : i32
      %add3A_138 = arith.constant 3 : i32
      %add3A_139 = arith.addi %mul3A_137, %add3A_138 : i32
      %dma_start3A_140 = arith.constant 0 : i32
      %dma_start3A_141 = tpu.memref_slice %arg6[%add3A_139, %dma_start3A_140] : memref<100x128xi32, #tpu.memory_space<vmem>> -> memref<1x128xi32, #tpu.memory_space<vmem>>
      %dma_start3A_142 = tpu.memref_squeeze %dma_start3A_141 : memref<1x128xi32, #tpu.memory_space<vmem>> -> memref<128xi32, #tpu.memory_space<vmem>>
      %dma_start3A_143 = arith.constant 0 : i32
      %dma_start3A_144 = arith.constant 0 : i32
      %dma_start3A_145 = tpu.memref_slice %arg2[%dma_start3A_143, %dma_start3A_144] : memref<1000000x64xf32, #tpu.memory_space<hbm>> -> memref<1000000x64xf32, #tpu.memory_space<hbm>>
      tpu.enqueue_indirect_dma source(%dma_start3A_145 : memref<1000000x64xf32, #tpu.memory_space<hbm>>) target(%arg16 : memref<128x64xf32, #tpu.memory_space<vmem>>) offsets(%dma_start3A_142 : memref<128xi32, #tpu.memory_space<vmem>>) semaphore(%arg19 : memref<!tpu.dma_semaphore, #tpu.memory_space<semaphore_mem>>)
      %mul3A_146 = arith.constant 5 : i32
      %mul3A_147 = arith.muli %add3A_105, %mul3A_146 : i32
      %add3A_148 = arith.constant 4 : i32
      %add3A_149 = arith.addi %mul3A_147, %add3A_148 : i32
      %dma_start3A_150 = arith.constant 0 : i32
      %dma_start3A_151 = tpu.memref_slice %arg6[%add3A_149, %dma_start3A_150] : memref<100x128xi32, #tpu.memory_space<vmem>> -> memref<1x128xi32, #tpu.memory_space<vmem>>
      %dma_start3A_152 = tpu.memref_squeeze %dma_start3A_151 : memref<1x128xi32, #tpu.memory_space<vmem>> -> memref<128xi32, #tpu.memory_space<vmem>>
      %dma_start3A_153 = arith.constant 0 : i32
      %dma_start3A_154 = arith.constant 0 : i32
      %dma_start3A_155 = tpu.memref_slice %arg2[%dma_start3A_153, %dma_start3A_154] : memref<1000000x64xf32, #tpu.memory_space<hbm>> -> memref<1000000x64xf32, #tpu.memory_space<hbm>>
      tpu.enqueue_indirect_dma source(%dma_start3A_155 : memref<1000000x64xf32, #tpu.memory_space<hbm>>) target(%arg17 : memref<128x64xf32, #tpu.memory_space<vmem>>) offsets(%dma_start3A_152 : memref<128xi32, #tpu.memory_space<vmem>>) semaphore(%arg19 : memref<!tpu.dma_semaphore, #tpu.memory_space<semaphore_mem>>)
      %mul3A_156 = arith.constant 5 : i32
      %mul3A_157 = arith.muli %mul3A_71, %mul3A_156 : i32
      %add3A_158 = arith.constant 0 : i32
      %add3A_159 = arith.addi %mul3A_157, %add3A_158 : i32
      %dma_start3A_160 = arith.constant 0 : i32
      %dma_start3A_161 = tpu.memref_slice %arg7[%add3A_159, %dma_start3A_160] : memref<100x128xi32, #tpu.memory_space<vmem>> -> memref<1x128xi32, #tpu.memory_space<vmem>>
      %dma_start3A_162 = tpu.memref_squeeze %dma_start3A_161 : memref<1x128xi32, #tpu.memory_space<vmem>> -> memref<128xi32, #tpu.memory_space<vmem>>
      %dma_start3A_163 = arith.constant 0 : i32
      %dma_start3A_164 = arith.constant 0 : i32
      %dma_start3A_165 = tpu.memref_slice %arg5[%dma_start3A_163, %dma_start3A_164] : memref<409600x64xf32, #tpu.memory_space<hbm>> -> memref<409600x64xf32, #tpu.memory_space<hbm>>
      tpu.enqueue_indirect_dma source(%arg8 : memref<128x64xf32, #tpu.memory_space<vmem>>) target(%dma_start3A_165 : memref<409600x64xf32, #tpu.memory_space<hbm>>) offsets(%dma_start3A_162 : memref<128xi32, #tpu.memory_space<vmem>>) semaphore(%arg20 : memref<!tpu.dma_semaphore, #tpu.memory_space<semaphore_mem>>)
      %mul3A_166 = arith.constant 5 : i32
      %mul3A_167 = arith.muli %mul3A_71, %mul3A_166 : i32
      %add3A_168 = arith.constant 1 : i32
      %add3A_169 = arith.addi %mul3A_167, %add3A_168 : i32
      %dma_start3A_170 = arith.constant 0 : i32
      %dma_start3A_171 = tpu.memref_slice %arg7[%add3A_169, %dma_start3A_170] : memref<100x128xi32, #tpu.memory_space<vmem>> -> memref<1x128xi32, #tpu.memory_space<vmem>>
      %dma_start3A_172 = tpu.memref_squeeze %dma_start3A_171 : memref<1x128xi32, #tpu.memory_space<vmem>> -> memref<128xi32, #tpu.memory_space<vmem>>
      %dma_start3A_173 = arith.constant 0 : i32
      %dma_start3A_174 = arith.constant 0 : i32
      %dma_start3A_175 = tpu.memref_slice %arg5[%dma_start3A_173, %dma_start3A_174] : memref<409600x64xf32, #tpu.memory_space<hbm>> -> memref<409600x64xf32, #tpu.memory_space<hbm>>
      tpu.enqueue_indirect_dma source(%arg9 : memref<128x64xf32, #tpu.memory_space<vmem>>) target(%dma_start3A_175 : memref<409600x64xf32, #tpu.memory_space<hbm>>) offsets(%dma_start3A_172 : memref<128xi32, #tpu.memory_space<vmem>>) semaphore(%arg20 : memref<!tpu.dma_semaphore, #tpu.memory_space<semaphore_mem>>)
      %mul3A_176 = arith.constant 5 : i32
      %mul3A_177 = arith.muli %mul3A_71, %mul3A_176 : i32
      %add3A_178 = arith.constant 2 : i32
      %add3A_179 = arith.addi %mul3A_177, %add3A_178 : i32
      %dma_start3A_180 = arith.constant 0 : i32
      %dma_start3A_181 = tpu.memref_slice %arg7[%add3A_179, %dma_start3A_180] : memref<100x128xi32, #tpu.memory_space<vmem>> -> memref<1x128xi32, #tpu.memory_space<vmem>>
      %dma_start3A_182 = tpu.memref_squeeze %dma_start3A_181 : memref<1x128xi32, #tpu.memory_space<vmem>> -> memref<128xi32, #tpu.memory_space<vmem>>
      %dma_start3A_183 = arith.constant 0 : i32
      %dma_start3A_184 = arith.constant 0 : i32
      %dma_start3A_185 = tpu.memref_slice %arg5[%dma_start3A_183, %dma_start3A_184] : memref<409600x64xf32, #tpu.memory_space<hbm>> -> memref<409600x64xf32, #tpu.memory_space<hbm>>
      tpu.enqueue_indirect_dma source(%arg10 : memref<128x64xf32, #tpu.memory_space<vmem>>) target(%dma_start3A_185 : memref<409600x64xf32, #tpu.memory_space<hbm>>) offsets(%dma_start3A_182 : memref<128xi32, #tpu.memory_space<vmem>>) semaphore(%arg20 : memref<!tpu.dma_semaphore, #tpu.memory_space<semaphore_mem>>)
      %mul3A_186 = arith.constant 5 : i32
      %mul3A_187 = arith.muli %mul3A_71, %mul3A_186 : i32
      %add3A_188 = arith.constant 3 : i32
      %add3A_189 = arith.addi %mul3A_187, %add3A_188 : i32
      %dma_start3A_190 = arith.constant 0 : i32
      %dma_start3A_191 = tpu.memref_slice %arg7[%add3A_189, %dma_start3A_190] : memref<100x128xi32, #tpu.memory_space<vmem>> -> memref<1x128xi32, #tpu.memory_space<vmem>>
      %dma_start3A_192 = tpu.memref_squeeze %dma_start3A_191 : memref<1x128xi32, #tpu.memory_space<vmem>> -> memref<128xi32, #tpu.memory_space<vmem>>
      %dma_start3A_193 = arith.constant 0 : i32
      %dma_start3A_194 = arith.constant 0 : i32
      %dma_start3A_195 = tpu.memref_slice %arg5[%dma_start3A_193, %dma_start3A_194] : memref<409600x64xf32, #tpu.memory_space<hbm>> -> memref<409600x64xf32, #tpu.memory_space<hbm>>
      tpu.enqueue_indirect_dma source(%arg11 : memref<128x64xf32, #tpu.memory_space<vmem>>) target(%dma_start3A_195 : memref<409600x64xf32, #tpu.memory_space<hbm>>) offsets(%dma_start3A_192 : memref<128xi32, #tpu.memory_space<vmem>>) semaphore(%arg20 : memref<!tpu.dma_semaphore, #tpu.memory_space<semaphore_mem>>)
      %mul3A_196 = arith.constant 5 : i32
      %mul3A_197 = arith.muli %mul3A_71, %mul3A_196 : i32
      %add3A_198 = arith.constant 4 : i32
      %add3A_199 = arith.addi %mul3A_197, %add3A_198 : i32
      %dma_start3A_200 = arith.constant 0 : i32
      %dma_start3A_201 = tpu.memref_slice %arg7[%add3A_199, %dma_start3A_200] : memref<100x128xi32, #tpu.memory_space<vmem>> -> memref<1x128xi32, #tpu.memory_space<vmem>>
      %dma_start3A_202 = tpu.memref_squeeze %dma_start3A_201 : memref<1x128xi32, #tpu.memory_space<vmem>> -> memref<128xi32, #tpu.memory_space<vmem>>
      %dma_start3A_203 = arith.constant 0 : i32
      %dma_start3A_204 = arith.constant 0 : i32
      %dma_start3A_205 = tpu.memref_slice %arg5[%dma_start3A_203, %dma_start3A_204] : memref<409600x64xf32, #tpu.memory_space<hbm>> -> memref<409600x64xf32, #tpu.memory_space<hbm>>
      tpu.enqueue_indirect_dma source(%arg12 : memref<128x64xf32, #tpu.memory_space<vmem>>) target(%dma_start3A_205 : memref<409600x64xf32, #tpu.memory_space<hbm>>) offsets(%dma_start3A_202 : memref<128xi32, #tpu.memory_space<vmem>>) semaphore(%arg20 : memref<!tpu.dma_semaphore, #tpu.memory_space<semaphore_mem>>)
      %dma_wait3A_206 = arith.constant 0 : i32
      %dma_wait3A_207 = arith.constant 0 : i32
      %dma_wait3A_208 = tpu.memref_slice %arg5[%dma_wait3A_206, %dma_wait3A_207] : memref<409600x64xf32, #tpu.memory_space<hbm>> -> memref<128x64xf32, #tpu.memory_space<hbm>>
      %dma_wait3A_209 = arith.constant 0 : i32
      %dma_wait3A_210 = arith.constant 0 : i32
      %dma_wait3A_211 = tpu.memref_slice %arg5[%dma_wait3A_209, %dma_wait3A_210] : memref<409600x64xf32, #tpu.memory_space<hbm>> -> memref<128x64xf32, #tpu.memory_space<hbm>>
      tpu.wait_dma2 semaphore(%arg19 : memref<!tpu.dma_semaphore, #tpu.memory_space<semaphore_mem>>) src(%dma_wait3A_211 : memref<128x64xf32, #tpu.memory_space<hbm>>) dst(%arg13 : memref<128x64xf32, #tpu.memory_space<vmem>>)
      %dma_wait3A_212 = arith.constant 0 : i32
      %dma_wait3A_213 = arith.constant 0 : i32
      %dma_wait3A_214 = tpu.memref_slice %arg5[%dma_wait3A_212, %dma_wait3A_213] : memref<409600x64xf32, #tpu.memory_space<hbm>> -> memref<128x64xf32, #tpu.memory_space<hbm>>
      %dma_wait3A_215 = arith.constant 0 : i32
      %dma_wait3A_216 = arith.constant 0 : i32
      %dma_wait3A_217 = tpu.memref_slice %arg5[%dma_wait3A_215, %dma_wait3A_216] : memref<409600x64xf32, #tpu.memory_space<hbm>> -> memref<128x64xf32, #tpu.memory_space<hbm>>
      tpu.wait_dma2 semaphore(%arg19 : memref<!tpu.dma_semaphore, #tpu.memory_space<semaphore_mem>>) src(%dma_wait3A_217 : memref<128x64xf32, #tpu.memory_space<hbm>>) dst(%arg14 : memref<128x64xf32, #tpu.memory_space<vmem>>)
      %dma_wait3A_218 = arith.constant 0 : i32
      %dma_wait3A_219 = arith.constant 0 : i32
      %dma_wait3A_220 = tpu.memref_slice %arg5[%dma_wait3A_218, %dma_wait3A_219] : memref<409600x64xf32, #tpu.memory_space<hbm>> -> memref<128x64xf32, #tpu.memory_space<hbm>>
      %dma_wait3A_221 = arith.constant 0 : i32
      %dma_wait3A_222 = arith.constant 0 : i32
      %dma_wait3A_223 = tpu.memref_slice %arg5[%dma_wait3A_221, %dma_wait3A_222] : memref<409600x64xf32, #tpu.memory_space<hbm>> -> memref<128x64xf32, #tpu.memory_space<hbm>>
      tpu.wait_dma2 semaphore(%arg19 : memref<!tpu.dma_semaphore, #tpu.memory_space<semaphore_mem>>) src(%dma_wait3A_223 : memref<128x64xf32, #tpu.memory_space<hbm>>) dst(%arg15 : memref<128x64xf32, #tpu.memory_space<vmem>>)
      %dma_wait3A_224 = arith.constant 0 : i32
      %dma_wait3A_225 = arith.constant 0 : i32
      %dma_wait3A_226 = tpu.memref_slice %arg5[%dma_wait3A_224, %dma_wait3A_225] : memref<409600x64xf32, #tpu.memory_space<hbm>> -> memref<128x64xf32, #tpu.memory_space<hbm>>
      %dma_wait3A_227 = arith.constant 0 : i32
      %dma_wait3A_228 = arith.constant 0 : i32
      %dma_wait3A_229 = tpu.memref_slice %arg5[%dma_wait3A_227, %dma_wait3A_228] : memref<409600x64xf32, #tpu.memory_space<hbm>> -> memref<128x64xf32, #tpu.memory_space<hbm>>
      tpu.wait_dma2 semaphore(%arg19 : memref<!tpu.dma_semaphore, #tpu.memory_space<semaphore_mem>>) src(%dma_wait3A_229 : memref<128x64xf32, #tpu.memory_space<hbm>>) dst(%arg16 : memref<128x64xf32, #tpu.memory_space<vmem>>)
      %dma_wait3A_230 = arith.constant 0 : i32
      %dma_wait3A_231 = arith.constant 0 : i32
      %dma_wait3A_232 = tpu.memref_slice %arg5[%dma_wait3A_230, %dma_wait3A_231] : memref<409600x64xf32, #tpu.memory_space<hbm>> -> memref<128x64xf32, #tpu.memory_space<hbm>>
      %dma_wait3A_233 = arith.constant 0 : i32
      %dma_wait3A_234 = arith.constant 0 : i32
      %dma_wait3A_235 = tpu.memref_slice %arg5[%dma_wait3A_233, %dma_wait3A_234] : memref<409600x64xf32, #tpu.memory_space<hbm>> -> memref<128x64xf32, #tpu.memory_space<hbm>>
      tpu.wait_dma2 semaphore(%arg19 : memref<!tpu.dma_semaphore, #tpu.memory_space<semaphore_mem>>) src(%dma_wait3A_235 : memref<128x64xf32, #tpu.memory_space<hbm>>) dst(%arg17 : memref<128x64xf32, #tpu.memory_space<vmem>>)
      %dma_wait3A_236 = arith.constant 0 : i32
      %dma_wait3A_237 = arith.constant 0 : i32
      %dma_wait3A_238 = tpu.memref_slice %arg5[%dma_wait3A_236, %dma_wait3A_237] : memref<409600x64xf32, #tpu.memory_space<hbm>> -> memref<128x64xf32, #tpu.memory_space<hbm>>
      %dma_wait3A_239 = arith.constant 0 : i32
      %dma_wait3A_240 = arith.constant 0 : i32
      %dma_wait3A_241 = tpu.memref_slice %arg5[%dma_wait3A_239, %dma_wait3A_240] : memref<409600x64xf32, #tpu.memory_space<hbm>> -> memref<128x64xf32, #tpu.memory_space<hbm>>
      tpu.wait_dma2 semaphore(%arg20 : memref<!tpu.dma_semaphore, #tpu.memory_space<semaphore_mem>>) src(%dma_wait3A_241 : memref<128x64xf32, #tpu.memory_space<hbm>>) dst(%arg8 : memref<128x64xf32, #tpu.memory_space<vmem>>)
      %dma_wait3A_242 = arith.constant 0 : i32
      %dma_wait3A_243 = arith.constant 0 : i32
      %dma_wait3A_244 = tpu.memref_slice %arg5[%dma_wait3A_242, %dma_wait3A_243] : memref<409600x64xf32, #tpu.memory_space<hbm>> -> memref<128x64xf32, #tpu.memory_space<hbm>>
      %dma_wait3A_245 = arith.constant 0 : i32
      %dma_wait3A_246 = arith.constant 0 : i32
      %dma_wait3A_247 = tpu.memref_slice %arg5[%dma_wait3A_245, %dma_wait3A_246] : memref<409600x64xf32, #tpu.memory_space<hbm>> -> memref<128x64xf32, #tpu.memory_space<hbm>>
      tpu.wait_dma2 semaphore(%arg20 : memref<!tpu.dma_semaphore, #tpu.memory_space<semaphore_mem>>) src(%dma_wait3A_247 : memref<128x64xf32, #tpu.memory_space<hbm>>) dst(%arg9 : memref<128x64xf32, #tpu.memory_space<vmem>>)
      %dma_wait3A_248 = arith.constant 0 : i32
      %dma_wait3A_249 = arith.constant 0 : i32
      %dma_wait3A_250 = tpu.memref_slice %arg5[%dma_wait3A_248, %dma_wait3A_249] : memref<409600x64xf32, #tpu.memory_space<hbm>> -> memref<128x64xf32, #tpu.memory_space<hbm>>
      %dma_wait3A_251 = arith.constant 0 : i32
      %dma_wait3A_252 = arith.constant 0 : i32
      %dma_wait3A_253 = tpu.memref_slice %arg5[%dma_wait3A_251, %dma_wait3A_252] : memref<409600x64xf32, #tpu.memory_space<hbm>> -> memref<128x64xf32, #tpu.memory_space<hbm>>
      tpu.wait_dma2 semaphore(%arg20 : memref<!tpu.dma_semaphore, #tpu.memory_space<semaphore_mem>>) src(%dma_wait3A_253 : memref<128x64xf32, #tpu.memory_space<hbm>>) dst(%arg10 : memref<128x64xf32, #tpu.memory_space<vmem>>)
      %dma_wait3A_254 = arith.constant 0 : i32
      %dma_wait3A_255 = arith.constant 0 : i32
      %dma_wait3A_256 = tpu.memref_slice %arg5[%dma_wait3A_254, %dma_wait3A_255] : memref<409600x64xf32, #tpu.memory_space<hbm>> -> memref<128x64xf32, #tpu.memory_space<hbm>>
      %dma_wait3A_257 = arith.constant 0 : i32
      %dma_wait3A_258 = arith.constant 0 : i32
      %dma_wait3A_259 = tpu.memref_slice %arg5[%dma_wait3A_257, %dma_wait3A_258] : memref<409600x64xf32, #tpu.memory_space<hbm>> -> memref<128x64xf32, #tpu.memory_space<hbm>>
      tpu.wait_dma2 semaphore(%arg20 : memref<!tpu.dma_semaphore, #tpu.memory_space<semaphore_mem>>) src(%dma_wait3A_259 : memref<128x64xf32, #tpu.memory_space<hbm>>) dst(%arg11 : memref<128x64xf32, #tpu.memory_space<vmem>>)
      %dma_wait3A_260 = arith.constant 0 : i32
      %dma_wait3A_261 = arith.constant 0 : i32
      %dma_wait3A_262 = tpu.memref_slice %arg5[%dma_wait3A_260, %dma_wait3A_261] : memref<409600x64xf32, #tpu.memory_space<hbm>> -> memref<128x64xf32, #tpu.memory_space<hbm>>
      %dma_wait3A_263 = arith.constant 0 : i32
      %dma_wait3A_264 = arith.constant 0 : i32
      %dma_wait3A_265 = tpu.memref_slice %arg5[%dma_wait3A_263, %dma_wait3A_264] : memref<409600x64xf32, #tpu.memory_space<hbm>> -> memref<128x64xf32, #tpu.memory_space<hbm>>
      tpu.wait_dma2 semaphore(%arg20 : memref<!tpu.dma_semaphore, #tpu.memory_space<semaphore_mem>>) src(%dma_wait3A_265 : memref<128x64xf32, #tpu.memory_space<hbm>>) dst(%arg12 : memref<128x64xf32, #tpu.memory_space<vmem>>)
      %add3A_266 = arith.constant 2 : i32
      %add3A_267 = arith.addi %mul3A_71, %add3A_266 : i32
      %lt3A = arith.constant 20 : i32
      %lt3A_268 = arith.cmpi slt, %add3A_267, %lt3A : i32
      %convert_element_type3A_269 = arith.extui %lt3A_268 : i1 to i32
      %cond3A_270 = arith.constant 0 : i32
      %cond3A_271 = arith.cmpi ne, %convert_element_type3A_269, %cond3A_270 : i32
      scf.if %cond3A_271 {
        %add3A_324 = arith.constant 2 : i32
        %add3A_325 = arith.addi %mul3A_71, %add3A_324 : i32
        %mul3A_326 = arith.constant 5 : i32
        %mul3A_327 = arith.muli %add3A_325, %mul3A_326 : i32
        %add3A_328 = arith.constant 0 : i32
        %add3A_329 = arith.addi %mul3A_327, %add3A_328 : i32
        %dma_start3A_330 = arith.constant 0 : i32
        %dma_start3A_331 = tpu.memref_slice %arg6[%add3A_329, %dma_start3A_330] : memref<100x128xi32, #tpu.memory_space<vmem>> -> memref<1x128xi32, #tpu.memory_space<vmem>>
        %dma_start3A_332 = tpu.memref_squeeze %dma_start3A_331 : memref<1x128xi32, #tpu.memory_space<vmem>> -> memref<128xi32, #tpu.memory_space<vmem>>
        %dma_start3A_333 = arith.constant 0 : i32
        %dma_start3A_334 = arith.constant 0 : i32
        %dma_start3A_335 = tpu.memref_slice %arg2[%dma_start3A_333, %dma_start3A_334] : memref<1000000x64xf32, #tpu.memory_space<hbm>> -> memref<1000000x64xf32, #tpu.memory_space<hbm>>
        tpu.enqueue_indirect_dma source(%dma_start3A_335 : memref<1000000x64xf32, #tpu.memory_space<hbm>>) target(%arg8 : memref<128x64xf32, #tpu.memory_space<vmem>>) offsets(%dma_start3A_332 : memref<128xi32, #tpu.memory_space<vmem>>) semaphore(%arg18 : memref<!tpu.dma_semaphore, #tpu.memory_space<semaphore_mem>>)
        %mul3A_336 = arith.constant 5 : i32
        %mul3A_337 = arith.muli %add3A_325, %mul3A_336 : i32
        %add3A_338 = arith.constant 1 : i32
        %add3A_339 = arith.addi %mul3A_337, %add3A_338 : i32
        %dma_start3A_340 = arith.constant 0 : i32
        %dma_start3A_341 = tpu.memref_slice %arg6[%add3A_339, %dma_start3A_340] : memref<100x128xi32, #tpu.memory_space<vmem>> -> memref<1x128xi32, #tpu.memory_space<vmem>>
        %dma_start3A_342 = tpu.memref_squeeze %dma_start3A_341 : memref<1x128xi32, #tpu.memory_space<vmem>> -> memref<128xi32, #tpu.memory_space<vmem>>
        %dma_start3A_343 = arith.constant 0 : i32
        %dma_start3A_344 = arith.constant 0 : i32
        %dma_start3A_345 = tpu.memref_slice %arg2[%dma_start3A_343, %dma_start3A_344] : memref<1000000x64xf32, #tpu.memory_space<hbm>> -> memref<1000000x64xf32, #tpu.memory_space<hbm>>
        tpu.enqueue_indirect_dma source(%dma_start3A_345 : memref<1000000x64xf32, #tpu.memory_space<hbm>>) target(%arg9 : memref<128x64xf32, #tpu.memory_space<vmem>>) offsets(%dma_start3A_342 : memref<128xi32, #tpu.memory_space<vmem>>) semaphore(%arg18 : memref<!tpu.dma_semaphore, #tpu.memory_space<semaphore_mem>>)
        %mul3A_346 = arith.constant 5 : i32
        %mul3A_347 = arith.muli %add3A_325, %mul3A_346 : i32
        %add3A_348 = arith.constant 2 : i32
        %add3A_349 = arith.addi %mul3A_347, %add3A_348 : i32
        %dma_start3A_350 = arith.constant 0 : i32
        %dma_start3A_351 = tpu.memref_slice %arg6[%add3A_349, %dma_start3A_350] : memref<100x128xi32, #tpu.memory_space<vmem>> -> memref<1x128xi32, #tpu.memory_space<vmem>>
        %dma_start3A_352 = tpu.memref_squeeze %dma_start3A_351 : memref<1x128xi32, #tpu.memory_space<vmem>> -> memref<128xi32, #tpu.memory_space<vmem>>
        %dma_start3A_353 = arith.constant 0 : i32
        %dma_start3A_354 = arith.constant 0 : i32
        %dma_start3A_355 = tpu.memref_slice %arg2[%dma_start3A_353, %dma_start3A_354] : memref<1000000x64xf32, #tpu.memory_space<hbm>> -> memref<1000000x64xf32, #tpu.memory_space<hbm>>
        tpu.enqueue_indirect_dma source(%dma_start3A_355 : memref<1000000x64xf32, #tpu.memory_space<hbm>>) target(%arg10 : memref<128x64xf32, #tpu.memory_space<vmem>>) offsets(%dma_start3A_352 : memref<128xi32, #tpu.memory_space<vmem>>) semaphore(%arg18 : memref<!tpu.dma_semaphore, #tpu.memory_space<semaphore_mem>>)
        %mul3A_356 = arith.constant 5 : i32
        %mul3A_357 = arith.muli %add3A_325, %mul3A_356 : i32
        %add3A_358 = arith.constant 3 : i32
        %add3A_359 = arith.addi %mul3A_357, %add3A_358 : i32
        %dma_start3A_360 = arith.constant 0 : i32
        %dma_start3A_361 = tpu.memref_slice %arg6[%add3A_359, %dma_start3A_360] : memref<100x128xi32, #tpu.memory_space<vmem>> -> memref<1x128xi32, #tpu.memory_space<vmem>>
        %dma_start3A_362 = tpu.memref_squeeze %dma_start3A_361 : memref<1x128xi32, #tpu.memory_space<vmem>> -> memref<128xi32, #tpu.memory_space<vmem>>
        %dma_start3A_363 = arith.constant 0 : i32
        %dma_start3A_364 = arith.constant 0 : i32
        %dma_start3A_365 = tpu.memref_slice %arg2[%dma_start3A_363, %dma_start3A_364] : memref<1000000x64xf32, #tpu.memory_space<hbm>> -> memref<1000000x64xf32, #tpu.memory_space<hbm>>
        tpu.enqueue_indirect_dma source(%dma_start3A_365 : memref<1000000x64xf32, #tpu.memory_space<hbm>>) target(%arg11 : memref<128x64xf32, #tpu.memory_space<vmem>>) offsets(%dma_start3A_362 : memref<128xi32, #tpu.memory_space<vmem>>) semaphore(%arg18 : memref<!tpu.dma_semaphore, #tpu.memory_space<semaphore_mem>>)
        %mul3A_366 = arith.constant 5 : i32
        %mul3A_367 = arith.muli %add3A_325, %mul3A_366 : i32
        %add3A_368 = arith.constant 4 : i32
        %add3A_369 = arith.addi %mul3A_367, %add3A_368 : i32
        %dma_start3A_370 = arith.constant 0 : i32
        %dma_start3A_371 = tpu.memref_slice %arg6[%add3A_369, %dma_start3A_370] : memref<100x128xi32, #tpu.memory_space<vmem>> -> memref<1x128xi32, #tpu.memory_space<vmem>>
        %dma_start3A_372 = tpu.memref_squeeze %dma_start3A_371 : memref<1x128xi32, #tpu.memory_space<vmem>> -> memref<128xi32, #tpu.memory_space<vmem>>
        %dma_start3A_373 = arith.constant 0 : i32
        %dma_start3A_374 = arith.constant 0 : i32
        %dma_start3A_375 = tpu.memref_slice %arg2[%dma_start3A_373, %dma_start3A_374] : memref<1000000x64xf32, #tpu.memory_space<hbm>> -> memref<1000000x64xf32, #tpu.memory_space<hbm>>
        tpu.enqueue_indirect_dma source(%dma_start3A_375 : memref<1000000x64xf32, #tpu.memory_space<hbm>>) target(%arg12 : memref<128x64xf32, #tpu.memory_space<vmem>>) offsets(%dma_start3A_372 : memref<128xi32, #tpu.memory_space<vmem>>) semaphore(%arg18 : memref<!tpu.dma_semaphore, #tpu.memory_space<semaphore_mem>>)
      } else {
      }
      %add3A_272 = arith.constant 1 : i32
      %add3A_273 = arith.addi %mul3A_71, %add3A_272 : i32
      %mul3A_274 = arith.constant 5 : i32
      %mul3A_275 = arith.muli %add3A_273, %mul3A_274 : i32
      %add3A_276 = arith.constant 0 : i32
      %add3A_277 = arith.addi %mul3A_275, %add3A_276 : i32
      %dma_start3A_278 = arith.constant 0 : i32
      %dma_start3A_279 = tpu.memref_slice %arg7[%add3A_277, %dma_start3A_278] : memref<100x128xi32, #tpu.memory_space<vmem>> -> memref<1x128xi32, #tpu.memory_space<vmem>>
      %dma_start3A_280 = tpu.memref_squeeze %dma_start3A_279 : memref<1x128xi32, #tpu.memory_space<vmem>> -> memref<128xi32, #tpu.memory_space<vmem>>
      %dma_start3A_281 = arith.constant 0 : i32
      %dma_start3A_282 = arith.constant 0 : i32
      %dma_start3A_283 = tpu.memref_slice %arg5[%dma_start3A_281, %dma_start3A_282] : memref<409600x64xf32, #tpu.memory_space<hbm>> -> memref<409600x64xf32, #tpu.memory_space<hbm>>
      tpu.enqueue_indirect_dma source(%arg13 : memref<128x64xf32, #tpu.memory_space<vmem>>) target(%dma_start3A_283 : memref<409600x64xf32, #tpu.memory_space<hbm>>) offsets(%dma_start3A_280 : memref<128xi32, #tpu.memory_space<vmem>>) semaphore(%arg21 : memref<!tpu.dma_semaphore, #tpu.memory_space<semaphore_mem>>)
      %mul3A_284 = arith.constant 5 : i32
      %mul3A_285 = arith.muli %add3A_273, %mul3A_284 : i32
      %add3A_286 = arith.constant 1 : i32
      %add3A_287 = arith.addi %mul3A_285, %add3A_286 : i32
      %dma_start3A_288 = arith.constant 0 : i32
      %dma_start3A_289 = tpu.memref_slice %arg7[%add3A_287, %dma_start3A_288] : memref<100x128xi32, #tpu.memory_space<vmem>> -> memref<1x128xi32, #tpu.memory_space<vmem>>
      %dma_start3A_290 = tpu.memref_squeeze %dma_start3A_289 : memref<1x128xi32, #tpu.memory_space<vmem>> -> memref<128xi32, #tpu.memory_space<vmem>>
      %dma_start3A_291 = arith.constant 0 : i32
      %dma_start3A_292 = arith.constant 0 : i32
      %dma_start3A_293 = tpu.memref_slice %arg5[%dma_start3A_291, %dma_start3A_292] : memref<409600x64xf32, #tpu.memory_space<hbm>> -> memref<409600x64xf32, #tpu.memory_space<hbm>>
      tpu.enqueue_indirect_dma source(%arg14 : memref<128x64xf32, #tpu.memory_space<vmem>>) target(%dma_start3A_293 : memref<409600x64xf32, #tpu.memory_space<hbm>>) offsets(%dma_start3A_290 : memref<128xi32, #tpu.memory_space<vmem>>) semaphore(%arg21 : memref<!tpu.dma_semaphore, #tpu.memory_space<semaphore_mem>>)
      %mul3A_294 = arith.constant 5 : i32
      %mul3A_295 = arith.muli %add3A_273, %mul3A_294 : i32
      %add3A_296 = arith.constant 2 : i32
      %add3A_297 = arith.addi %mul3A_295, %add3A_296 : i32
      %dma_start3A_298 = arith.constant 0 : i32
      %dma_start3A_299 = tpu.memref_slice %arg7[%add3A_297, %dma_start3A_298] : memref<100x128xi32, #tpu.memory_space<vmem>> -> memref<1x128xi32, #tpu.memory_space<vmem>>
      %dma_start3A_300 = tpu.memref_squeeze %dma_start3A_299 : memref<1x128xi32, #tpu.memory_space<vmem>> -> memref<128xi32, #tpu.memory_space<vmem>>
      %dma_start3A_301 = arith.constant 0 : i32
      %dma_start3A_302 = arith.constant 0 : i32
      %dma_start3A_303 = tpu.memref_slice %arg5[%dma_start3A_301, %dma_start3A_302] : memref<409600x64xf32, #tpu.memory_space<hbm>> -> memref<409600x64xf32, #tpu.memory_space<hbm>>
      tpu.enqueue_indirect_dma source(%arg15 : memref<128x64xf32, #tpu.memory_space<vmem>>) target(%dma_start3A_303 : memref<409600x64xf32, #tpu.memory_space<hbm>>) offsets(%dma_start3A_300 : memref<128xi32, #tpu.memory_space<vmem>>) semaphore(%arg21 : memref<!tpu.dma_semaphore, #tpu.memory_space<semaphore_mem>>)
      %mul3A_304 = arith.constant 5 : i32
      %mul3A_305 = arith.muli %add3A_273, %mul3A_304 : i32
      %add3A_306 = arith.constant 3 : i32
      %add3A_307 = arith.addi %mul3A_305, %add3A_306 : i32
      %dma_start3A_308 = arith.constant 0 : i32
      %dma_start3A_309 = tpu.memref_slice %arg7[%add3A_307, %dma_start3A_308] : memref<100x128xi32, #tpu.memory_space<vmem>> -> memref<1x128xi32, #tpu.memory_space<vmem>>
      %dma_start3A_310 = tpu.memref_squeeze %dma_start3A_309 : memref<1x128xi32, #tpu.memory_space<vmem>> -> memref<128xi32, #tpu.memory_space<vmem>>
      %dma_start3A_311 = arith.constant 0 : i32
      %dma_start3A_312 = arith.constant 0 : i32
      %dma_start3A_313 = tpu.memref_slice %arg5[%dma_start3A_311, %dma_start3A_312] : memref<409600x64xf32, #tpu.memory_space<hbm>> -> memref<409600x64xf32, #tpu.memory_space<hbm>>
      tpu.enqueue_indirect_dma source(%arg16 : memref<128x64xf32, #tpu.memory_space<vmem>>) target(%dma_start3A_313 : memref<409600x64xf32, #tpu.memory_space<hbm>>) offsets(%dma_start3A_310 : memref<128xi32, #tpu.memory_space<vmem>>) semaphore(%arg21 : memref<!tpu.dma_semaphore, #tpu.memory_space<semaphore_mem>>)
      %mul3A_314 = arith.constant 5 : i32
      %mul3A_315 = arith.muli %add3A_273, %mul3A_314 : i32
      %add3A_316 = arith.constant 4 : i32
      %add3A_317 = arith.addi %mul3A_315, %add3A_316 : i32
      %dma_start3A_318 = arith.constant 0 : i32
      %dma_start3A_319 = tpu.memref_slice %arg7[%add3A_317, %dma_start3A_318] : memref<100x128xi32, #tpu.memory_space<vmem>> -> memref<1x128xi32, #tpu.memory_space<vmem>>
      %dma_start3A_320 = tpu.memref_squeeze %dma_start3A_319 : memref<1x128xi32, #tpu.memory_space<vmem>> -> memref<128xi32, #tpu.memory_space<vmem>>
      %dma_start3A_321 = arith.constant 0 : i32
      %dma_start3A_322 = arith.constant 0 : i32
      %dma_start3A_323 = tpu.memref_slice %arg5[%dma_start3A_321, %dma_start3A_322] : memref<409600x64xf32, #tpu.memory_space<hbm>> -> memref<409600x64xf32, #tpu.memory_space<hbm>>
      tpu.enqueue_indirect_dma source(%arg17 : memref<128x64xf32, #tpu.memory_space<vmem>>) target(%dma_start3A_323 : memref<409600x64xf32, #tpu.memory_space<hbm>>) offsets(%dma_start3A_320 : memref<128xi32, #tpu.memory_space<vmem>>) semaphore(%arg21 : memref<!tpu.dma_semaphore, #tpu.memory_space<semaphore_mem>>)
    }
    %scan3A_39 = arith.constant 10 : i32
    %dma_wait3A = arith.constant 0 : i32
    %dma_wait3A_40 = arith.constant 0 : i32
    %dma_wait3A_41 = tpu.memref_slice %arg5[%dma_wait3A, %dma_wait3A_40] : memref<409600x64xf32, #tpu.memory_space<hbm>> -> memref<128x64xf32, #tpu.memory_space<hbm>>
    %dma_wait3A_42 = arith.constant 0 : i32
    %dma_wait3A_43 = arith.constant 0 : i32
    %dma_wait3A_44 = tpu.memref_slice %arg5[%dma_wait3A_42, %dma_wait3A_43] : memref<409600x64xf32, #tpu.memory_space<hbm>> -> memref<128x64xf32, #tpu.memory_space<hbm>>
    tpu.wait_dma2 semaphore(%arg21 : memref<!tpu.dma_semaphore, #tpu.memory_space<semaphore_mem>>) src(%dma_wait3A_44 : memref<128x64xf32, #tpu.memory_space<hbm>>) dst(%arg13 : memref<128x64xf32, #tpu.memory_space<vmem>>)
    %dma_wait3A_45 = arith.constant 0 : i32
    %dma_wait3A_46 = arith.constant 0 : i32
    %dma_wait3A_47 = tpu.memref_slice %arg5[%dma_wait3A_45, %dma_wait3A_46] : memref<409600x64xf32, #tpu.memory_space<hbm>> -> memref<128x64xf32, #tpu.memory_space<hbm>>
    %dma_wait3A_48 = arith.constant 0 : i32
    %dma_wait3A_49 = arith.constant 0 : i32
    %dma_wait3A_50 = tpu.memref_slice %arg5[%dma_wait3A_48, %dma_wait3A_49] : memref<409600x64xf32, #tpu.memory_space<hbm>> -> memref<128x64xf32, #tpu.memory_space<hbm>>
    tpu.wait_dma2 semaphore(%arg21 : memref<!tpu.dma_semaphore, #tpu.memory_space<semaphore_mem>>) src(%dma_wait3A_50 : memref<128x64xf32, #tpu.memory_space<hbm>>) dst(%arg14 : memref<128x64xf32, #tpu.memory_space<vmem>>)
    %dma_wait3A_51 = arith.constant 0 : i32
    %dma_wait3A_52 = arith.constant 0 : i32
    %dma_wait3A_53 = tpu.memref_slice %arg5[%dma_wait3A_51, %dma_wait3A_52] : memref<409600x64xf32, #tpu.memory_space<hbm>> -> memref<128x64xf32, #tpu.memory_space<hbm>>
    %dma_wait3A_54 = arith.constant 0 : i32
    %dma_wait3A_55 = arith.constant 0 : i32
    %dma_wait3A_56 = tpu.memref_slice %arg5[%dma_wait3A_54, %dma_wait3A_55] : memref<409600x64xf32, #tpu.memory_space<hbm>> -> memref<128x64xf32, #tpu.memory_space<hbm>>
    tpu.wait_dma2 semaphore(%arg21 : memref<!tpu.dma_semaphore, #tpu.memory_space<semaphore_mem>>) src(%dma_wait3A_56 : memref<128x64xf32, #tpu.memory_space<hbm>>) dst(%arg15 : memref<128x64xf32, #tpu.memory_space<vmem>>)
    %dma_wait3A_57 = arith.constant 0 : i32
    %dma_wait3A_58 = arith.constant 0 : i32
    %dma_wait3A_59 = tpu.memref_slice %arg5[%dma_wait3A_57, %dma_wait3A_58] : memref<409600x64xf32, #tpu.memory_space<hbm>> -> memref<128x64xf32, #tpu.memory_space<hbm>>
    %dma_wait3A_60 = arith.constant 0 : i32
    %dma_wait3A_61 = arith.constant 0 : i32
    %dma_wait3A_62 = tpu.memref_slice %arg5[%dma_wait3A_60, %dma_wait3A_61] : memref<409600x64xf32, #tpu.memory_space<hbm>> -> memref<128x64xf32, #tpu.memory_space<hbm>>
    tpu.wait_dma2 semaphore(%arg21 : memref<!tpu.dma_semaphore, #tpu.memory_space<semaphore_mem>>) src(%dma_wait3A_62 : memref<128x64xf32, #tpu.memory_space<hbm>>) dst(%arg16 : memref<128x64xf32, #tpu.memory_space<vmem>>)
    %dma_wait3A_63 = arith.constant 0 : i32
    %dma_wait3A_64 = arith.constant 0 : i32
    %dma_wait3A_65 = tpu.memref_slice %arg5[%dma_wait3A_63, %dma_wait3A_64] : memref<409600x64xf32, #tpu.memory_space<hbm>> -> memref<128x64xf32, #tpu.memory_space<hbm>>
    %dma_wait3A_66 = arith.constant 0 : i32
    %dma_wait3A_67 = arith.constant 0 : i32
    %dma_wait3A_68 = tpu.memref_slice %arg5[%dma_wait3A_66, %dma_wait3A_67] : memref<409600x64xf32, #tpu.memory_space<hbm>> -> memref<128x64xf32, #tpu.memory_space<hbm>>
    tpu.wait_dma2 semaphore(%arg21 : memref<!tpu.dma_semaphore, #tpu.memory_space<semaphore_mem>>) src(%dma_wait3A_68 : memref<128x64xf32, #tpu.memory_space<hbm>>) dst(%arg17 : memref<128x64xf32, #tpu.memory_space<vmem>>)
    return
  }
}

#map = affine_map<(d0, d1) -> (0, 0)>
#map1 = affine_map<(d0, d1) -> (0, 0, 0)>
module attributes {stable_mosaic.version = 14 : i64} {
  func.func @_sc_gather(%arg0: i32, %arg1: i32, %arg2: memref<1000000x64xf32, #tpu.memory_space<hbm>>, %arg3: memref<32x100x128xi32, #tpu.memory_space<hbm>>, %arg4: memref<32x100x128xi32, #tpu.memory_space<hbm>>, %arg5: memref<409600x64xf32, #tpu.memory_space<hbm>>, %arg6: memref<100x128xi32, #tpu.memory_space<vmem>>, %arg7: memref<100x128xi32, #tpu.memory_space<vmem>>, %arg8: memref<128x64xf32, #tpu.memory_space<vmem>>, %arg9: memref<128x64xf32, #tpu.memory_space<vmem>>, %arg10: memref<128x64xf32, #tpu.memory_space<vmem>>, %arg11: memref<128x64xf32, #tpu.memory_space<vmem>>, %arg12: memref<128x64xf32, #tpu.memory_space<vmem>>, %arg13: memref<128x64xf32, #tpu.memory_space<vmem>>, %arg14: memref<128x64xf32, #tpu.memory_space<vmem>>, %arg15: memref<128x64xf32, #tpu.memory_space<vmem>>, %arg16: memref<128x64xf32, #tpu.memory_space<vmem>>, %arg17: memref<128x64xf32, #tpu.memory_space<vmem>>, %arg18: memref<!tpu.dma_semaphore, #tpu.memory_space<semaphore_mem>>, %arg19: memref<!tpu.dma_semaphore, #tpu.memory_space<semaphore_mem>>, %arg20: memref<!tpu.dma_semaphore, #tpu.memory_space<semaphore_mem>>, %arg21: memref<!tpu.dma_semaphore, #tpu.memory_space<semaphore_mem>>) attributes {dimension_semantics = [#tpu.dimension_semantics<core_parallel>, #tpu.dimension_semantics<subcore_parallel>], iteration_bounds = array<i64: 2, 16>, scalar_prefetch = 0 : i64, scratch_operands = 16 : i64, tpu.core_type = #tpu.core_type<sc_vector_subcore>, window_params = [{transform_indices = #map}, {transform_indices = #map1}, {transform_indices = #map1}, {transform_indices = #map}]} {
    %mul3A = arith.constant 2 : i32
    %mul3A_0 = arith.muli %arg1, %mul3A : i32
    %add3A = arith.addi %mul3A_0, %arg0 : i32
    "tpu.region"() ({
      %run_scoped3A = tpu.sem_alloc : memref<!tpu.dma_semaphore, #tpu.memory_space<semaphore_mem>>
      %dma_start3A_69 = arith.constant 0 : i32
      %dma_start3A_70 = arith.constant 0 : i32
      %dma_start3A_71 = tpu.memref_slice %arg3[%add3A, %dma_start3A_69, %dma_start3A_70] : memref<32x100x128xi32, #tpu.memory_space<hbm>> -> memref<1x100x128xi32, #tpu.memory_space<hbm>>
      %dma_start3A_72 = tpu.memref_squeeze %dma_start3A_71 : memref<1x100x128xi32, #tpu.memory_space<hbm>> -> memref<100x128xi32, #tpu.memory_space<hbm>>
      %dma_start3A_73 = arith.constant 0 : i32
      %dma_start3A_74 = arith.constant 0 : i32
      %dma_start3A_75 = tpu.memref_slice %arg3[%add3A, %dma_start3A_73, %dma_start3A_74] : memref<32x100x128xi32, #tpu.memory_space<hbm>> -> memref<1x100x128xi32, #tpu.memory_space<hbm>>
      %dma_start3A_76 = tpu.memref_squeeze %dma_start3A_75 : memref<1x100x128xi32, #tpu.memory_space<hbm>> -> memref<100x128xi32, #tpu.memory_space<hbm>>
      tpu.enqueue_dma source(%dma_start3A_76 : memref<100x128xi32, #tpu.memory_space<hbm>>) target(%arg6 : memref<100x128xi32, #tpu.memory_space<vmem>>) target_semaphore(%run_scoped3A : memref<!tpu.dma_semaphore, #tpu.memory_space<semaphore_mem>>)
      %dma_wait3A_77 = arith.constant 0 : i32
      %dma_wait3A_78 = arith.constant 0 : i32
      %dma_wait3A_79 = tpu.memref_slice %arg3[%add3A, %dma_wait3A_77, %dma_wait3A_78] : memref<32x100x128xi32, #tpu.memory_space<hbm>> -> memref<1x100x128xi32, #tpu.memory_space<hbm>>
      %dma_wait3A_80 = tpu.memref_squeeze %dma_wait3A_79 : memref<1x100x128xi32, #tpu.memory_space<hbm>> -> memref<100x128xi32, #tpu.memory_space<hbm>>
      %dma_wait3A_81 = arith.constant 0 : i32
      %dma_wait3A_82 = arith.constant 0 : i32
      %dma_wait3A_83 = tpu.memref_slice %arg3[%add3A, %dma_wait3A_81, %dma_wait3A_82] : memref<32x100x128xi32, #tpu.memory_space<hbm>> -> memref<1x100x128xi32, #tpu.memory_space<hbm>>
      %dma_wait3A_84 = tpu.memref_squeeze %dma_wait3A_83 : memref<1x100x128xi32, #tpu.memory_space<hbm>> -> memref<100x128xi32, #tpu.memory_space<hbm>>
      tpu.wait_dma2 semaphore(%run_scoped3A : memref<!tpu.dma_semaphore, #tpu.memory_space<semaphore_mem>>) src(%dma_wait3A_84 : memref<100x128xi32, #tpu.memory_space<hbm>>) dst(%arg6 : memref<100x128xi32, #tpu.memory_space<vmem>>)
      tpu.yield
    }) : () -> ()
    "tpu.region"() ({
      %run_scoped3A = tpu.sem_alloc : memref<!tpu.dma_semaphore, #tpu.memory_space<semaphore_mem>>
      %dma_start3A_69 = arith.constant 0 : i32
      %dma_start3A_70 = arith.constant 0 : i32
      %dma_start3A_71 = tpu.memref_slice %arg4[%add3A, %dma_start3A_69, %dma_start3A_70] : memref<32x100x128xi32, #tpu.memory_space<hbm>> -> memref<1x100x128xi32, #tpu.memory_space<hbm>>
      %dma_start3A_72 = tpu.memref_squeeze %dma_start3A_71 : memref<1x100x128xi32, #tpu.memory_space<hbm>> -> memref<100x128xi32, #tpu.memory_space<hbm>>
      %dma_start3A_73 = arith.constant 0 : i32
      %dma_start3A_74 = arith.constant 0 : i32
      %dma_start3A_75 = tpu.memref_slice %arg4[%add3A, %dma_start3A_73, %dma_start3A_74] : memref<32x100x128xi32, #tpu.memory_space<hbm>> -> memref<1x100x128xi32, #tpu.memory_space<hbm>>
      %dma_start3A_76 = tpu.memref_squeeze %dma_start3A_75 : memref<1x100x128xi32, #tpu.memory_space<hbm>> -> memref<100x128xi32, #tpu.memory_space<hbm>>
      tpu.enqueue_dma source(%dma_start3A_76 : memref<100x128xi32, #tpu.memory_space<hbm>>) target(%arg7 : memref<100x128xi32, #tpu.memory_space<vmem>>) target_semaphore(%run_scoped3A : memref<!tpu.dma_semaphore, #tpu.memory_space<semaphore_mem>>)
      %dma_wait3A_77 = arith.constant 0 : i32
      %dma_wait3A_78 = arith.constant 0 : i32
      %dma_wait3A_79 = tpu.memref_slice %arg4[%add3A, %dma_wait3A_77, %dma_wait3A_78] : memref<32x100x128xi32, #tpu.memory_space<hbm>> -> memref<1x100x128xi32, #tpu.memory_space<hbm>>
      %dma_wait3A_80 = tpu.memref_squeeze %dma_wait3A_79 : memref<1x100x128xi32, #tpu.memory_space<hbm>> -> memref<100x128xi32, #tpu.memory_space<hbm>>
      %dma_wait3A_81 = arith.constant 0 : i32
      %dma_wait3A_82 = arith.constant 0 : i32
      %dma_wait3A_83 = tpu.memref_slice %arg4[%add3A, %dma_wait3A_81, %dma_wait3A_82] : memref<32x100x128xi32, #tpu.memory_space<hbm>> -> memref<1x100x128xi32, #tpu.memory_space<hbm>>
      %dma_wait3A_84 = tpu.memref_squeeze %dma_wait3A_83 : memref<1x100x128xi32, #tpu.memory_space<hbm>> -> memref<100x128xi32, #tpu.memory_space<hbm>>
      tpu.wait_dma2 semaphore(%run_scoped3A : memref<!tpu.dma_semaphore, #tpu.memory_space<semaphore_mem>>) src(%dma_wait3A_84 : memref<100x128xi32, #tpu.memory_space<hbm>>) dst(%arg7 : memref<100x128xi32, #tpu.memory_space<vmem>>)
      tpu.yield
    }) : () -> ()
    %dma_start3A = arith.constant 0 : i32
    %dma_start3A_1 = arith.constant 0 : i32
    %dma_start3A_2 = tpu.memref_slice %arg6[%dma_start3A, %dma_start3A_1] : memref<100x128xi32, #tpu.memory_space<vmem>> -> memref<1x128xi32, #tpu.memory_space<vmem>>
    %dma_start3A_3 = tpu.memref_squeeze %dma_start3A_2 : memref<1x128xi32, #tpu.memory_space<vmem>> -> memref<128xi32, #tpu.memory_space<vmem>>
    %dma_start3A_4 = arith.constant 0 : i32
    %dma_start3A_5 = arith.constant 0 : i32
    %dma_start3A_6 = tpu.memref_slice %arg2[%dma_start3A_4, %dma_start3A_5] : memref<1000000x64xf32, #tpu.memory_space<hbm>> -> memref<1000000x64xf32, #tpu.memory_space<hbm>>
    tpu.enqueue_indirect_dma source(%dma_start3A_6 : memref<1000000x64xf32, #tpu.memory_space<hbm>>) target(%arg8 : memref<128x64xf32, #tpu.memory_space<vmem>>) offsets(%dma_start3A_3 : memref<128xi32, #tpu.memory_space<vmem>>) semaphore(%arg18 : memref<!tpu.dma_semaphore, #tpu.memory_space<semaphore_mem>>)
    %dma_start3A_7 = arith.constant 1 : i32
    %dma_start3A_8 = arith.constant 0 : i32
    %dma_start3A_9 = tpu.memref_slice %arg6[%dma_start3A_7, %dma_start3A_8] : memref<100x128xi32, #tpu.memory_space<vmem>> -> memref<1x128xi32, #tpu.memory_space<vmem>>
    %dma_start3A_10 = tpu.memref_squeeze %dma_start3A_9 : memref<1x128xi32, #tpu.memory_space<vmem>> -> memref<128xi32, #tpu.memory_space<vmem>>
    %dma_start3A_11 = arith.constant 0 : i32
    %dma_start3A_12 = arith.constant 0 : i32
    %dma_start3A_13 = tpu.memref_slice %arg2[%dma_start3A_11, %dma_start3A_12] : memref<1000000x64xf32, #tpu.memory_space<hbm>> -> memref<1000000x64xf32, #tpu.memory_space<hbm>>
    tpu.enqueue_indirect_dma source(%dma_start3A_13 : memref<1000000x64xf32, #tpu.memory_space<hbm>>) target(%arg9 : memref<128x64xf32, #tpu.memory_space<vmem>>) offsets(%dma_start3A_10 : memref<128xi32, #tpu.memory_space<vmem>>) semaphore(%arg18 : memref<!tpu.dma_semaphore, #tpu.memory_space<semaphore_mem>>)
    %dma_start3A_14 = arith.constant 2 : i32
    %dma_start3A_15 = arith.constant 0 : i32
    %dma_start3A_16 = tpu.memref_slice %arg6[%dma_start3A_14, %dma_start3A_15] : memref<100x128xi32, #tpu.memory_space<vmem>> -> memref<1x128xi32, #tpu.memory_space<vmem>>
    %dma_start3A_17 = tpu.memref_squeeze %dma_start3A_16 : memref<1x128xi32, #tpu.memory_space<vmem>> -> memref<128xi32, #tpu.memory_space<vmem>>
    %dma_start3A_18 = arith.constant 0 : i32
    %dma_start3A_19 = arith.constant 0 : i32
    %dma_start3A_20 = tpu.memref_slice %arg2[%dma_start3A_18, %dma_start3A_19] : memref<1000000x64xf32, #tpu.memory_space<hbm>> -> memref<1000000x64xf32, #tpu.memory_space<hbm>>
    tpu.enqueue_indirect_dma source(%dma_start3A_20 : memref<1000000x64xf32, #tpu.memory_space<hbm>>) target(%arg10 : memref<128x64xf32, #tpu.memory_space<vmem>>) offsets(%dma_start3A_17 : memref<128xi32, #tpu.memory_space<vmem>>) semaphore(%arg18 : memref<!tpu.dma_semaphore, #tpu.memory_space<semaphore_mem>>)
    %dma_start3A_21 = arith.constant 3 : i32
    %dma_start3A_22 = arith.constant 0 : i32
    %dma_start3A_23 = tpu.memref_slice %arg6[%dma_start3A_21, %dma_start3A_22] : memref<100x128xi32, #tpu.memory_space<vmem>> -> memref<1x128xi32, #tpu.memory_space<vmem>>
    %dma_start3A_24 = tpu.memref_squeeze %dma_start3A_23 : memref<1x128xi32, #tpu.memory_space<vmem>> -> memref<128xi32, #tpu.memory_space<vmem>>
    %dma_start3A_25 = arith.constant 0 : i32
    %dma_start3A_26 = arith.constant 0 : i32
    %dma_start3A_27 = tpu.memref_slice %arg2[%dma_start3A_25, %dma_start3A_26] : memref<1000000x64xf32, #tpu.memory_space<hbm>> -> memref<1000000x64xf32, #tpu.memory_space<hbm>>
    tpu.enqueue_indirect_dma source(%dma_start3A_27 : memref<1000000x64xf32, #tpu.memory_space<hbm>>) target(%arg11 : memref<128x64xf32, #tpu.memory_space<vmem>>) offsets(%dma_start3A_24 : memref<128xi32, #tpu.memory_space<vmem>>) semaphore(%arg18 : memref<!tpu.dma_semaphore, #tpu.memory_space<semaphore_mem>>)
    %dma_start3A_28 = arith.constant 4 : i32
    %dma_start3A_29 = arith.constant 0 : i32
    %dma_start3A_30 = tpu.memref_slice %arg6[%dma_start3A_28, %dma_start3A_29] : memref<100x128xi32, #tpu.memory_space<vmem>> -> memref<1x128xi32, #tpu.memory_space<vmem>>
    %dma_start3A_31 = tpu.memref_squeeze %dma_start3A_30 : memref<1x128xi32, #tpu.memory_space<vmem>> -> memref<128xi32, #tpu.memory_space<vmem>>
    %dma_start3A_32 = arith.constant 0 : i32
    %dma_start3A_33 = arith.constant 0 : i32
    %dma_start3A_34 = tpu.memref_slice %arg2[%dma_start3A_32, %dma_start3A_33] : memref<1000000x64xf32, #tpu.memory_space<hbm>> -> memref<1000000x64xf32, #tpu.memory_space<hbm>>
    tpu.enqueue_indirect_dma source(%dma_start3A_34 : memref<1000000x64xf32, #tpu.memory_space<hbm>>) target(%arg12 : memref<128x64xf32, #tpu.memory_space<vmem>>) offsets(%dma_start3A_31 : memref<128xi32, #tpu.memory_space<vmem>>) semaphore(%arg18 : memref<!tpu.dma_semaphore, #tpu.memory_space<semaphore_mem>>)
    %scan3A = arith.constant 0 : i32
    %scan3A_35 = arith.constant 0 : i32
    %scan3A_36 = arith.constant 10 : i32
    %scan3A_37 = arith.addi %scan3A_35, %scan3A_36 : i32
    %scan3A_38 = arith.constant 1 : i32
    scf.for %scan3A_69 = %scan3A_35 to %scan3A_37 step %scan3A_38  : i32 {
      %mul3A_70 = arith.constant 2 : i32
      %mul3A_71 = arith.muli %scan3A_69, %mul3A_70 : i32
      %dma_wait3A_72 = arith.constant 0 : i32
      %dma_wait3A_73 = arith.constant 0 : i32
      %dma_wait3A_74 = tpu.memref_slice %arg5[%dma_wait3A_72, %dma_wait3A_73] : memref<409600x64xf32, #tpu.memory_space<hbm>> -> memref<128x64xf32, #tpu.memory_space<hbm>>
      %dma_wait3A_75 = arith.constant 0 : i32
      %dma_wait3A_76 = arith.constant 0 : i32
      %dma_wait3A_77 = tpu.memref_slice %arg5[%dma_wait3A_75, %dma_wait3A_76] : memref<409600x64xf32, #tpu.memory_space<hbm>> -> memref<128x64xf32, #tpu.memory_space<hbm>>
      tpu.wait_dma2 semaphore(%arg18 : memref<!tpu.dma_semaphore, #tpu.memory_space<semaphore_mem>>) src(%dma_wait3A_77 : memref<128x64xf32, #tpu.memory_space<hbm>>) dst(%arg8 : memref<128x64xf32, #tpu.memory_space<vmem>>)
      %dma_wait3A_78 = arith.constant 0 : i32
      %dma_wait3A_79 = arith.constant 0 : i32
      %dma_wait3A_80 = tpu.memref_slice %arg5[%dma_wait3A_78, %dma_wait3A_79] : memref<409600x64xf32, #tpu.memory_space<hbm>> -> memref<128x64xf32, #tpu.memory_space<hbm>>
      %dma_wait3A_81 = arith.constant 0 : i32
      %dma_wait3A_82 = arith.constant 0 : i32
      %dma_wait3A_83 = tpu.memref_slice %arg5[%dma_wait3A_81, %dma_wait3A_82] : memref<409600x64xf32, #tpu.memory_space<hbm>> -> memref<128x64xf32, #tpu.memory_space<hbm>>
      tpu.wait_dma2 semaphore(%arg18 : memref<!tpu.dma_semaphore, #tpu.memory_space<semaphore_mem>>) src(%dma_wait3A_83 : memref<128x64xf32, #tpu.memory_space<hbm>>) dst(%arg9 : memref<128x64xf32, #tpu.memory_space<vmem>>)
      %dma_wait3A_84 = arith.constant 0 : i32
      %dma_wait3A_85 = arith.constant 0 : i32
      %dma_wait3A_86 = tpu.memref_slice %arg5[%dma_wait3A_84, %dma_wait3A_85] : memref<409600x64xf32, #tpu.memory_space<hbm>> -> memref<128x64xf32, #tpu.memory_space<hbm>>
      %dma_wait3A_87 = arith.constant 0 : i32
      %dma_wait3A_88 = arith.constant 0 : i32
      %dma_wait3A_89 = tpu.memref_slice %arg5[%dma_wait3A_87, %dma_wait3A_88] : memref<409600x64xf32, #tpu.memory_space<hbm>> -> memref<128x64xf32, #tpu.memory_space<hbm>>
      tpu.wait_dma2 semaphore(%arg18 : memref<!tpu.dma_semaphore, #tpu.memory_space<semaphore_mem>>) src(%dma_wait3A_89 : memref<128x64xf32, #tpu.memory_space<hbm>>) dst(%arg10 : memref<128x64xf32, #tpu.memory_space<vmem>>)
      %dma_wait3A_90 = arith.constant 0 : i32
      %dma_wait3A_91 = arith.constant 0 : i32
      %dma_wait3A_92 = tpu.memref_slice %arg5[%dma_wait3A_90, %dma_wait3A_91] : memref<409600x64xf32, #tpu.memory_space<hbm>> -> memref<128x64xf32, #tpu.memory_space<hbm>>
      %dma_wait3A_93 = arith.constant 0 : i32
      %dma_wait3A_94 = arith.constant 0 : i32
      %dma_wait3A_95 = tpu.memref_slice %arg5[%dma_wait3A_93, %dma_wait3A_94] : memref<409600x64xf32, #tpu.memory_space<hbm>> -> memref<128x64xf32, #tpu.memory_space<hbm>>
      tpu.wait_dma2 semaphore(%arg18 : memref<!tpu.dma_semaphore, #tpu.memory_space<semaphore_mem>>) src(%dma_wait3A_95 : memref<128x64xf32, #tpu.memory_space<hbm>>) dst(%arg11 : memref<128x64xf32, #tpu.memory_space<vmem>>)
      %dma_wait3A_96 = arith.constant 0 : i32
      %dma_wait3A_97 = arith.constant 0 : i32
      %dma_wait3A_98 = tpu.memref_slice %arg5[%dma_wait3A_96, %dma_wait3A_97] : memref<409600x64xf32, #tpu.memory_space<hbm>> -> memref<128x64xf32, #tpu.memory_space<hbm>>
      %dma_wait3A_99 = arith.constant 0 : i32
      %dma_wait3A_100 = arith.constant 0 : i32
      %dma_wait3A_101 = tpu.memref_slice %arg5[%dma_wait3A_99, %dma_wait3A_100] : memref<409600x64xf32, #tpu.memory_space<hbm>> -> memref<128x64xf32, #tpu.memory_space<hbm>>
      tpu.wait_dma2 semaphore(%arg18 : memref<!tpu.dma_semaphore, #tpu.memory_space<semaphore_mem>>) src(%dma_wait3A_101 : memref<128x64xf32, #tpu.memory_space<hbm>>) dst(%arg12 : memref<128x64xf32, #tpu.memory_space<vmem>>)
      %gt3A = arith.constant 0 : i32
      %gt3A_102 = arith.cmpi sgt, %mul3A_71, %gt3A : i32
      %convert_element_type3A = arith.extui %gt3A_102 : i1 to i32
      %cond3A = arith.constant 0 : i32
      %cond3A_103 = arith.cmpi ne, %convert_element_type3A, %cond3A : i32
      scf.if %cond3A_103 {
        %dma_wait3A_324 = arith.constant 0 : i32
        %dma_wait3A_325 = arith.constant 0 : i32
        %dma_wait3A_326 = tpu.memref_slice %arg5[%dma_wait3A_324, %dma_wait3A_325] : memref<409600x64xf32, #tpu.memory_space<hbm>> -> memref<128x64xf32, #tpu.memory_space<hbm>>
        %dma_wait3A_327 = arith.constant 0 : i32
        %dma_wait3A_328 = arith.constant 0 : i32
        %dma_wait3A_329 = tpu.memref_slice %arg5[%dma_wait3A_327, %dma_wait3A_328] : memref<409600x64xf32, #tpu.memory_space<hbm>> -> memref<128x64xf32, #tpu.memory_space<hbm>>
        tpu.wait_dma2 semaphore(%arg21 : memref<!tpu.dma_semaphore, #tpu.memory_space<semaphore_mem>>) src(%dma_wait3A_329 : memref<128x64xf32, #tpu.memory_space<hbm>>) dst(%arg13 : memref<128x64xf32, #tpu.memory_space<vmem>>)
        %dma_wait3A_330 = arith.constant 0 : i32
        %dma_wait3A_331 = arith.constant 0 : i32
        %dma_wait3A_332 = tpu.memref_slice %arg5[%dma_wait3A_330, %dma_wait3A_331] : memref<409600x64xf32, #tpu.memory_space<hbm>> -> memref<128x64xf32, #tpu.memory_space<hbm>>
        %dma_wait3A_333 = arith.constant 0 : i32
        %dma_wait3A_334 = arith.constant 0 : i32
        %dma_wait3A_335 = tpu.memref_slice %arg5[%dma_wait3A_333, %dma_wait3A_334] : memref<409600x64xf32, #tpu.memory_space<hbm>> -> memref<128x64xf32, #tpu.memory_space<hbm>>
        tpu.wait_dma2 semaphore(%arg21 : memref<!tpu.dma_semaphore, #tpu.memory_space<semaphore_mem>>) src(%dma_wait3A_335 : memref<128x64xf32, #tpu.memory_space<hbm>>) dst(%arg14 : memref<128x64xf32, #tpu.memory_space<vmem>>)
        %dma_wait3A_336 = arith.constant 0 : i32
        %dma_wait3A_337 = arith.constant 0 : i32
        %dma_wait3A_338 = tpu.memref_slice %arg5[%dma_wait3A_336, %dma_wait3A_337] : memref<409600x64xf32, #tpu.memory_space<hbm>> -> memref<128x64xf32, #tpu.memory_space<hbm>>
        %dma_wait3A_339 = arith.constant 0 : i32
        %dma_wait3A_340 = arith.constant 0 : i32
        %dma_wait3A_341 = tpu.memref_slice %arg5[%dma_wait3A_339, %dma_wait3A_340] : memref<409600x64xf32, #tpu.memory_space<hbm>> -> memref<128x64xf32, #tpu.memory_space<hbm>>
        tpu.wait_dma2 semaphore(%arg21 : memref<!tpu.dma_semaphore, #tpu.memory_space<semaphore_mem>>) src(%dma_wait3A_341 : memref<128x64xf32, #tpu.memory_space<hbm>>) dst(%arg15 : memref<128x64xf32, #tpu.memory_space<vmem>>)
        %dma_wait3A_342 = arith.constant 0 : i32
        %dma_wait3A_343 = arith.constant 0 : i32
        %dma_wait3A_344 = tpu.memref_slice %arg5[%dma_wait3A_342, %dma_wait3A_343] : memref<409600x64xf32, #tpu.memory_space<hbm>> -> memref<128x64xf32, #tpu.memory_space<hbm>>
        %dma_wait3A_345 = arith.constant 0 : i32
        %dma_wait3A_346 = arith.constant 0 : i32
        %dma_wait3A_347 = tpu.memref_slice %arg5[%dma_wait3A_345, %dma_wait3A_346] : memref<409600x64xf32, #tpu.memory_space<hbm>> -> memref<128x64xf32, #tpu.memory_space<hbm>>
        tpu.wait_dma2 semaphore(%arg21 : memref<!tpu.dma_semaphore, #tpu.memory_space<semaphore_mem>>) src(%dma_wait3A_347 : memref<128x64xf32, #tpu.memory_space<hbm>>) dst(%arg16 : memref<128x64xf32, #tpu.memory_space<vmem>>)
        %dma_wait3A_348 = arith.constant 0 : i32
        %dma_wait3A_349 = arith.constant 0 : i32
        %dma_wait3A_350 = tpu.memref_slice %arg5[%dma_wait3A_348, %dma_wait3A_349] : memref<409600x64xf32, #tpu.memory_space<hbm>> -> memref<128x64xf32, #tpu.memory_space<hbm>>
        %dma_wait3A_351 = arith.constant 0 : i32
        %dma_wait3A_352 = arith.constant 0 : i32
        %dma_wait3A_353 = tpu.memref_slice %arg5[%dma_wait3A_351, %dma_wait3A_352] : memref<409600x64xf32, #tpu.memory_space<hbm>> -> memref<128x64xf32, #tpu.memory_space<hbm>>
        tpu.wait_dma2 semaphore(%arg21 : memref<!tpu.dma_semaphore, #tpu.memory_space<semaphore_mem>>) src(%dma_wait3A_353 : memref<128x64xf32, #tpu.memory_space<hbm>>) dst(%arg17 : memref<128x64xf32, #tpu.memory_space<vmem>>)
      } else {
      }
      %add3A_104 = arith.constant 1 : i32
      %add3A_105 = arith.addi %mul3A_71, %add3A_104 : i32
      %mul3A_106 = arith.constant 5 : i32
      %mul3A_107 = arith.muli %add3A_105, %mul3A_106 : i32
      %add3A_108 = arith.constant 0 : i32
      %add3A_109 = arith.addi %mul3A_107, %add3A_108 : i32
      %dma_start3A_110 = arith.constant 0 : i32
      %dma_start3A_111 = tpu.memref_slice %arg6[%add3A_109, %dma_start3A_110] : memref<100x128xi32, #tpu.memory_space<vmem>> -> memref<1x128xi32, #tpu.memory_space<vmem>>
      %dma_start3A_112 = tpu.memref_squeeze %dma_start3A_111 : memref<1x128xi32, #tpu.memory_space<vmem>> -> memref<128xi32, #tpu.memory_space<vmem>>
      %dma_start3A_113 = arith.constant 0 : i32
      %dma_start3A_114 = arith.constant 0 : i32
      %dma_start3A_115 = tpu.memref_slice %arg2[%dma_start3A_113, %dma_start3A_114] : memref<1000000x64xf32, #tpu.memory_space<hbm>> -> memref<1000000x64xf32, #tpu.memory_space<hbm>>
      tpu.enqueue_indirect_dma source(%dma_start3A_115 : memref<1000000x64xf32, #tpu.memory_space<hbm>>) target(%arg13 : memref<128x64xf32, #tpu.memory_space<vmem>>) offsets(%dma_start3A_112 : memref<128xi32, #tpu.memory_space<vmem>>) semaphore(%arg19 : memref<!tpu.dma_semaphore, #tpu.memory_space<semaphore_mem>>)
      %mul3A_116 = arith.constant 5 : i32
      %mul3A_117 = arith.muli %add3A_105, %mul3A_116 : i32
      %add3A_118 = arith.constant 1 : i32
      %add3A_119 = arith.addi %mul3A_117, %add3A_118 : i32
      %dma_start3A_120 = arith.constant 0 : i32
      %dma_start3A_121 = tpu.memref_slice %arg6[%add3A_119, %dma_start3A_120] : memref<100x128xi32, #tpu.memory_space<vmem>> -> memref<1x128xi32, #tpu.memory_space<vmem>>
      %dma_start3A_122 = tpu.memref_squeeze %dma_start3A_121 : memref<1x128xi32, #tpu.memory_space<vmem>> -> memref<128xi32, #tpu.memory_space<vmem>>
      %dma_start3A_123 = arith.constant 0 : i32
      %dma_start3A_124 = arith.constant 0 : i32
      %dma_start3A_125 = tpu.memref_slice %arg2[%dma_start3A_123, %dma_start3A_124] : memref<1000000x64xf32, #tpu.memory_space<hbm>> -> memref<1000000x64xf32, #tpu.memory_space<hbm>>
      tpu.enqueue_indirect_dma source(%dma_start3A_125 : memref<1000000x64xf32, #tpu.memory_space<hbm>>) target(%arg14 : memref<128x64xf32, #tpu.memory_space<vmem>>) offsets(%dma_start3A_122 : memref<128xi32, #tpu.memory_space<vmem>>) semaphore(%arg19 : memref<!tpu.dma_semaphore, #tpu.memory_space<semaphore_mem>>)
      %mul3A_126 = arith.constant 5 : i32
      %mul3A_127 = arith.muli %add3A_105, %mul3A_126 : i32
      %add3A_128 = arith.constant 2 : i32
      %add3A_129 = arith.addi %mul3A_127, %add3A_128 : i32
      %dma_start3A_130 = arith.constant 0 : i32
      %dma_start3A_131 = tpu.memref_slice %arg6[%add3A_129, %dma_start3A_130] : memref<100x128xi32, #tpu.memory_space<vmem>> -> memref<1x128xi32, #tpu.memory_space<vmem>>
      %dma_start3A_132 = tpu.memref_squeeze %dma_start3A_131 : memref<1x128xi32, #tpu.memory_space<vmem>> -> memref<128xi32, #tpu.memory_space<vmem>>
      %dma_start3A_133 = arith.constant 0 : i32
      %dma_start3A_134 = arith.constant 0 : i32
      %dma_start3A_135 = tpu.memref_slice %arg2[%dma_start3A_133, %dma_start3A_134] : memref<1000000x64xf32, #tpu.memory_space<hbm>> -> memref<1000000x64xf32, #tpu.memory_space<hbm>>
      tpu.enqueue_indirect_dma source(%dma_start3A_135 : memref<1000000x64xf32, #tpu.memory_space<hbm>>) target(%arg15 : memref<128x64xf32, #tpu.memory_space<vmem>>) offsets(%dma_start3A_132 : memref<128xi32, #tpu.memory_space<vmem>>) semaphore(%arg19 : memref<!tpu.dma_semaphore, #tpu.memory_space<semaphore_mem>>)
      %mul3A_136 = arith.constant 5 : i32
      %mul3A_137 = arith.muli %add3A_105, %mul3A_136 : i32
      %add3A_138 = arith.constant 3 : i32
      %add3A_139 = arith.addi %mul3A_137, %add3A_138 : i32
      %dma_start3A_140 = arith.constant 0 : i32
      %dma_start3A_141 = tpu.memref_slice %arg6[%add3A_139, %dma_start3A_140] : memref<100x128xi32, #tpu.memory_space<vmem>> -> memref<1x128xi32, #tpu.memory_space<vmem>>
      %dma_start3A_142 = tpu.memref_squeeze %dma_start3A_141 : memref<1x128xi32, #tpu.memory_space<vmem>> -> memref<128xi32, #tpu.memory_space<vmem>>
      %dma_start3A_143 = arith.constant 0 : i32
      %dma_start3A_144 = arith.constant 0 : i32
      %dma_start3A_145 = tpu.memref_slice %arg2[%dma_start3A_143, %dma_start3A_144] : memref<1000000x64xf32, #tpu.memory_space<hbm>> -> memref<1000000x64xf32, #tpu.memory_space<hbm>>
      tpu.enqueue_indirect_dma source(%dma_start3A_145 : memref<1000000x64xf32, #tpu.memory_space<hbm>>) target(%arg16 : memref<128x64xf32, #tpu.memory_space<vmem>>) offsets(%dma_start3A_142 : memref<128xi32, #tpu.memory_space<vmem>>) semaphore(%arg19 : memref<!tpu.dma_semaphore, #tpu.memory_space<semaphore_mem>>)
      %mul3A_146 = arith.constant 5 : i32
      %mul3A_147 = arith.muli %add3A_105, %mul3A_146 : i32
      %add3A_148 = arith.constant 4 : i32
      %add3A_149 = arith.addi %mul3A_147, %add3A_148 : i32
      %dma_start3A_150 = arith.constant 0 : i32
      %dma_start3A_151 = tpu.memref_slice %arg6[%add3A_149, %dma_start3A_150] : memref<100x128xi32, #tpu.memory_space<vmem>> -> memref<1x128xi32, #tpu.memory_space<vmem>>
      %dma_start3A_152 = tpu.memref_squeeze %dma_start3A_151 : memref<1x128xi32, #tpu.memory_space<vmem>> -> memref<128xi32, #tpu.memory_space<vmem>>
      %dma_start3A_153 = arith.constant 0 : i32
      %dma_start3A_154 = arith.constant 0 : i32
      %dma_start3A_155 = tpu.memref_slice %arg2[%dma_start3A_153, %dma_start3A_154] : memref<1000000x64xf32, #tpu.memory_space<hbm>> -> memref<1000000x64xf32, #tpu.memory_space<hbm>>
      tpu.enqueue_indirect_dma source(%dma_start3A_155 : memref<1000000x64xf32, #tpu.memory_space<hbm>>) target(%arg17 : memref<128x64xf32, #tpu.memory_space<vmem>>) offsets(%dma_start3A_152 : memref<128xi32, #tpu.memory_space<vmem>>) semaphore(%arg19 : memref<!tpu.dma_semaphore, #tpu.memory_space<semaphore_mem>>)
      %mul3A_156 = arith.constant 5 : i32
      %mul3A_157 = arith.muli %mul3A_71, %mul3A_156 : i32
      %add3A_158 = arith.constant 0 : i32
      %add3A_159 = arith.addi %mul3A_157, %add3A_158 : i32
      %dma_start3A_160 = arith.constant 0 : i32
      %dma_start3A_161 = tpu.memref_slice %arg7[%add3A_159, %dma_start3A_160] : memref<100x128xi32, #tpu.memory_space<vmem>> -> memref<1x128xi32, #tpu.memory_space<vmem>>
      %dma_start3A_162 = tpu.memref_squeeze %dma_start3A_161 : memref<1x128xi32, #tpu.memory_space<vmem>> -> memref<128xi32, #tpu.memory_space<vmem>>
      %dma_start3A_163 = arith.constant 0 : i32
      %dma_start3A_164 = arith.constant 0 : i32
      %dma_start3A_165 = tpu.memref_slice %arg5[%dma_start3A_163, %dma_start3A_164] : memref<409600x64xf32, #tpu.memory_space<hbm>> -> memref<409600x64xf32, #tpu.memory_space<hbm>>
      tpu.enqueue_indirect_dma source(%arg8 : memref<128x64xf32, #tpu.memory_space<vmem>>) target(%dma_start3A_165 : memref<409600x64xf32, #tpu.memory_space<hbm>>) offsets(%dma_start3A_162 : memref<128xi32, #tpu.memory_space<vmem>>) semaphore(%arg20 : memref<!tpu.dma_semaphore, #tpu.memory_space<semaphore_mem>>)
      %mul3A_166 = arith.constant 5 : i32
      %mul3A_167 = arith.muli %mul3A_71, %mul3A_166 : i32
      %add3A_168 = arith.constant 1 : i32
      %add3A_169 = arith.addi %mul3A_167, %add3A_168 : i32
      %dma_start3A_170 = arith.constant 0 : i32
      %dma_start3A_171 = tpu.memref_slice %arg7[%add3A_169, %dma_start3A_170] : memref<100x128xi32, #tpu.memory_space<vmem>> -> memref<1x128xi32, #tpu.memory_space<vmem>>
      %dma_start3A_172 = tpu.memref_squeeze %dma_start3A_171 : memref<1x128xi32, #tpu.memory_space<vmem>> -> memref<128xi32, #tpu.memory_space<vmem>>
      %dma_start3A_173 = arith.constant 0 : i32
      %dma_start3A_174 = arith.constant 0 : i32
      %dma_start3A_175 = tpu.memref_slice %arg5[%dma_start3A_173, %dma_start3A_174] : memref<409600x64xf32, #tpu.memory_space<hbm>> -> memref<409600x64xf32, #tpu.memory_space<hbm>>
      tpu.enqueue_indirect_dma source(%arg9 : memref<128x64xf32, #tpu.memory_space<vmem>>) target(%dma_start3A_175 : memref<409600x64xf32, #tpu.memory_space<hbm>>) offsets(%dma_start3A_172 : memref<128xi32, #tpu.memory_space<vmem>>) semaphore(%arg20 : memref<!tpu.dma_semaphore, #tpu.memory_space<semaphore_mem>>)
      %mul3A_176 = arith.constant 5 : i32
      %mul3A_177 = arith.muli %mul3A_71, %mul3A_176 : i32
      %add3A_178 = arith.constant 2 : i32
      %add3A_179 = arith.addi %mul3A_177, %add3A_178 : i32
      %dma_start3A_180 = arith.constant 0 : i32
      %dma_start3A_181 = tpu.memref_slice %arg7[%add3A_179, %dma_start3A_180] : memref<100x128xi32, #tpu.memory_space<vmem>> -> memref<1x128xi32, #tpu.memory_space<vmem>>
      %dma_start3A_182 = tpu.memref_squeeze %dma_start3A_181 : memref<1x128xi32, #tpu.memory_space<vmem>> -> memref<128xi32, #tpu.memory_space<vmem>>
      %dma_start3A_183 = arith.constant 0 : i32
      %dma_start3A_184 = arith.constant 0 : i32
      %dma_start3A_185 = tpu.memref_slice %arg5[%dma_start3A_183, %dma_start3A_184] : memref<409600x64xf32, #tpu.memory_space<hbm>> -> memref<409600x64xf32, #tpu.memory_space<hbm>>
      tpu.enqueue_indirect_dma source(%arg10 : memref<128x64xf32, #tpu.memory_space<vmem>>) target(%dma_start3A_185 : memref<409600x64xf32, #tpu.memory_space<hbm>>) offsets(%dma_start3A_182 : memref<128xi32, #tpu.memory_space<vmem>>) semaphore(%arg20 : memref<!tpu.dma_semaphore, #tpu.memory_space<semaphore_mem>>)
      %mul3A_186 = arith.constant 5 : i32
      %mul3A_187 = arith.muli %mul3A_71, %mul3A_186 : i32
      %add3A_188 = arith.constant 3 : i32
      %add3A_189 = arith.addi %mul3A_187, %add3A_188 : i32
      %dma_start3A_190 = arith.constant 0 : i32
      %dma_start3A_191 = tpu.memref_slice %arg7[%add3A_189, %dma_start3A_190] : memref<100x128xi32, #tpu.memory_space<vmem>> -> memref<1x128xi32, #tpu.memory_space<vmem>>
      %dma_start3A_192 = tpu.memref_squeeze %dma_start3A_191 : memref<1x128xi32, #tpu.memory_space<vmem>> -> memref<128xi32, #tpu.memory_space<vmem>>
      %dma_start3A_193 = arith.constant 0 : i32
      %dma_start3A_194 = arith.constant 0 : i32
      %dma_start3A_195 = tpu.memref_slice %arg5[%dma_start3A_193, %dma_start3A_194] : memref<409600x64xf32, #tpu.memory_space<hbm>> -> memref<409600x64xf32, #tpu.memory_space<hbm>>
      tpu.enqueue_indirect_dma source(%arg11 : memref<128x64xf32, #tpu.memory_space<vmem>>) target(%dma_start3A_195 : memref<409600x64xf32, #tpu.memory_space<hbm>>) offsets(%dma_start3A_192 : memref<128xi32, #tpu.memory_space<vmem>>) semaphore(%arg20 : memref<!tpu.dma_semaphore, #tpu.memory_space<semaphore_mem>>)
      %mul3A_196 = arith.constant 5 : i32
      %mul3A_197 = arith.muli %mul3A_71, %mul3A_196 : i32
      %add3A_198 = arith.constant 4 : i32
      %add3A_199 = arith.addi %mul3A_197, %add3A_198 : i32
      %dma_start3A_200 = arith.constant 0 : i32
      %dma_start3A_201 = tpu.memref_slice %arg7[%add3A_199, %dma_start3A_200] : memref<100x128xi32, #tpu.memory_space<vmem>> -> memref<1x128xi32, #tpu.memory_space<vmem>>
      %dma_start3A_202 = tpu.memref_squeeze %dma_start3A_201 : memref<1x128xi32, #tpu.memory_space<vmem>> -> memref<128xi32, #tpu.memory_space<vmem>>
      %dma_start3A_203 = arith.constant 0 : i32
      %dma_start3A_204 = arith.constant 0 : i32
      %dma_start3A_205 = tpu.memref_slice %arg5[%dma_start3A_203, %dma_start3A_204] : memref<409600x64xf32, #tpu.memory_space<hbm>> -> memref<409600x64xf32, #tpu.memory_space<hbm>>
      tpu.enqueue_indirect_dma source(%arg12 : memref<128x64xf32, #tpu.memory_space<vmem>>) target(%dma_start3A_205 : memref<409600x64xf32, #tpu.memory_space<hbm>>) offsets(%dma_start3A_202 : memref<128xi32, #tpu.memory_space<vmem>>) semaphore(%arg20 : memref<!tpu.dma_semaphore, #tpu.memory_space<semaphore_mem>>)
      %dma_wait3A_206 = arith.constant 0 : i32
      %dma_wait3A_207 = arith.constant 0 : i32
      %dma_wait3A_208 = tpu.memref_slice %arg5[%dma_wait3A_206, %dma_wait3A_207] : memref<409600x64xf32, #tpu.memory_space<hbm>> -> memref<128x64xf32, #tpu.memory_space<hbm>>
      %dma_wait3A_209 = arith.constant 0 : i32
      %dma_wait3A_210 = arith.constant 0 : i32
      %dma_wait3A_211 = tpu.memref_slice %arg5[%dma_wait3A_209, %dma_wait3A_210] : memref<409600x64xf32, #tpu.memory_space<hbm>> -> memref<128x64xf32, #tpu.memory_space<hbm>>
      tpu.wait_dma2 semaphore(%arg19 : memref<!tpu.dma_semaphore, #tpu.memory_space<semaphore_mem>>) src(%dma_wait3A_211 : memref<128x64xf32, #tpu.memory_space<hbm>>) dst(%arg13 : memref<128x64xf32, #tpu.memory_space<vmem>>)
      %dma_wait3A_212 = arith.constant 0 : i32
      %dma_wait3A_213 = arith.constant 0 : i32
      %dma_wait3A_214 = tpu.memref_slice %arg5[%dma_wait3A_212, %dma_wait3A_213] : memref<409600x64xf32, #tpu.memory_space<hbm>> -> memref<128x64xf32, #tpu.memory_space<hbm>>
      %dma_wait3A_215 = arith.constant 0 : i32
      %dma_wait3A_216 = arith.constant 0 : i32
      %dma_wait3A_217 = tpu.memref_slice %arg5[%dma_wait3A_215, %dma_wait3A_216] : memref<409600x64xf32, #tpu.memory_space<hbm>> -> memref<128x64xf32, #tpu.memory_space<hbm>>
      tpu.wait_dma2 semaphore(%arg19 : memref<!tpu.dma_semaphore, #tpu.memory_space<semaphore_mem>>) src(%dma_wait3A_217 : memref<128x64xf32, #tpu.memory_space<hbm>>) dst(%arg14 : memref<128x64xf32, #tpu.memory_space<vmem>>)
      %dma_wait3A_218 = arith.constant 0 : i32
      %dma_wait3A_219 = arith.constant 0 : i32
      %dma_wait3A_220 = tpu.memref_slice %arg5[%dma_wait3A_218, %dma_wait3A_219] : memref<409600x64xf32, #tpu.memory_space<hbm>> -> memref<128x64xf32, #tpu.memory_space<hbm>>
      %dma_wait3A_221 = arith.constant 0 : i32
      %dma_wait3A_222 = arith.constant 0 : i32
      %dma_wait3A_223 = tpu.memref_slice %arg5[%dma_wait3A_221, %dma_wait3A_222] : memref<409600x64xf32, #tpu.memory_space<hbm>> -> memref<128x64xf32, #tpu.memory_space<hbm>>
      tpu.wait_dma2 semaphore(%arg19 : memref<!tpu.dma_semaphore, #tpu.memory_space<semaphore_mem>>) src(%dma_wait3A_223 : memref<128x64xf32, #tpu.memory_space<hbm>>) dst(%arg15 : memref<128x64xf32, #tpu.memory_space<vmem>>)
      %dma_wait3A_224 = arith.constant 0 : i32
      %dma_wait3A_225 = arith.constant 0 : i32
      %dma_wait3A_226 = tpu.memref_slice %arg5[%dma_wait3A_224, %dma_wait3A_225] : memref<409600x64xf32, #tpu.memory_space<hbm>> -> memref<128x64xf32, #tpu.memory_space<hbm>>
      %dma_wait3A_227 = arith.constant 0 : i32
      %dma_wait3A_228 = arith.constant 0 : i32
      %dma_wait3A_229 = tpu.memref_slice %arg5[%dma_wait3A_227, %dma_wait3A_228] : memref<409600x64xf32, #tpu.memory_space<hbm>> -> memref<128x64xf32, #tpu.memory_space<hbm>>
      tpu.wait_dma2 semaphore(%arg19 : memref<!tpu.dma_semaphore, #tpu.memory_space<semaphore_mem>>) src(%dma_wait3A_229 : memref<128x64xf32, #tpu.memory_space<hbm>>) dst(%arg16 : memref<128x64xf32, #tpu.memory_space<vmem>>)
      %dma_wait3A_230 = arith.constant 0 : i32
      %dma_wait3A_231 = arith.constant 0 : i32
      %dma_wait3A_232 = tpu.memref_slice %arg5[%dma_wait3A_230, %dma_wait3A_231] : memref<409600x64xf32, #tpu.memory_space<hbm>> -> memref<128x64xf32, #tpu.memory_space<hbm>>
      %dma_wait3A_233 = arith.constant 0 : i32
      %dma_wait3A_234 = arith.constant 0 : i32
      %dma_wait3A_235 = tpu.memref_slice %arg5[%dma_wait3A_233, %dma_wait3A_234] : memref<409600x64xf32, #tpu.memory_space<hbm>> -> memref<128x64xf32, #tpu.memory_space<hbm>>
      tpu.wait_dma2 semaphore(%arg19 : memref<!tpu.dma_semaphore, #tpu.memory_space<semaphore_mem>>) src(%dma_wait3A_235 : memref<128x64xf32, #tpu.memory_space<hbm>>) dst(%arg17 : memref<128x64xf32, #tpu.memory_space<vmem>>)
      %dma_wait3A_236 = arith.constant 0 : i32
      %dma_wait3A_237 = arith.constant 0 : i32
      %dma_wait3A_238 = tpu.memref_slice %arg5[%dma_wait3A_236, %dma_wait3A_237] : memref<409600x64xf32, #tpu.memory_space<hbm>> -> memref<128x64xf32, #tpu.memory_space<hbm>>
      %dma_wait3A_239 = arith.constant 0 : i32
      %dma_wait3A_240 = arith.constant 0 : i32
      %dma_wait3A_241 = tpu.memref_slice %arg5[%dma_wait3A_239, %dma_wait3A_240] : memref<409600x64xf32, #tpu.memory_space<hbm>> -> memref<128x64xf32, #tpu.memory_space<hbm>>
      tpu.wait_dma2 semaphore(%arg20 : memref<!tpu.dma_semaphore, #tpu.memory_space<semaphore_mem>>) src(%dma_wait3A_241 : memref<128x64xf32, #tpu.memory_space<hbm>>) dst(%arg8 : memref<128x64xf32, #tpu.memory_space<vmem>>)
      %dma_wait3A_242 = arith.constant 0 : i32
      %dma_wait3A_243 = arith.constant 0 : i32
      %dma_wait3A_244 = tpu.memref_slice %arg5[%dma_wait3A_242, %dma_wait3A_243] : memref<409600x64xf32, #tpu.memory_space<hbm>> -> memref<128x64xf32, #tpu.memory_space<hbm>>
      %dma_wait3A_245 = arith.constant 0 : i32
      %dma_wait3A_246 = arith.constant 0 : i32
      %dma_wait3A_247 = tpu.memref_slice %arg5[%dma_wait3A_245, %dma_wait3A_246] : memref<409600x64xf32, #tpu.memory_space<hbm>> -> memref<128x64xf32, #tpu.memory_space<hbm>>
      tpu.wait_dma2 semaphore(%arg20 : memref<!tpu.dma_semaphore, #tpu.memory_space<semaphore_mem>>) src(%dma_wait3A_247 : memref<128x64xf32, #tpu.memory_space<hbm>>) dst(%arg9 : memref<128x64xf32, #tpu.memory_space<vmem>>)
      %dma_wait3A_248 = arith.constant 0 : i32
      %dma_wait3A_249 = arith.constant 0 : i32
      %dma_wait3A_250 = tpu.memref_slice %arg5[%dma_wait3A_248, %dma_wait3A_249] : memref<409600x64xf32, #tpu.memory_space<hbm>> -> memref<128x64xf32, #tpu.memory_space<hbm>>
      %dma_wait3A_251 = arith.constant 0 : i32
      %dma_wait3A_252 = arith.constant 0 : i32
      %dma_wait3A_253 = tpu.memref_slice %arg5[%dma_wait3A_251, %dma_wait3A_252] : memref<409600x64xf32, #tpu.memory_space<hbm>> -> memref<128x64xf32, #tpu.memory_space<hbm>>
      tpu.wait_dma2 semaphore(%arg20 : memref<!tpu.dma_semaphore, #tpu.memory_space<semaphore_mem>>) src(%dma_wait3A_253 : memref<128x64xf32, #tpu.memory_space<hbm>>) dst(%arg10 : memref<128x64xf32, #tpu.memory_space<vmem>>)
      %dma_wait3A_254 = arith.constant 0 : i32
      %dma_wait3A_255 = arith.constant 0 : i32
      %dma_wait3A_256 = tpu.memref_slice %arg5[%dma_wait3A_254, %dma_wait3A_255] : memref<409600x64xf32, #tpu.memory_space<hbm>> -> memref<128x64xf32, #tpu.memory_space<hbm>>
      %dma_wait3A_257 = arith.constant 0 : i32
      %dma_wait3A_258 = arith.constant 0 : i32
      %dma_wait3A_259 = tpu.memref_slice %arg5[%dma_wait3A_257, %dma_wait3A_258] : memref<409600x64xf32, #tpu.memory_space<hbm>> -> memref<128x64xf32, #tpu.memory_space<hbm>>
      tpu.wait_dma2 semaphore(%arg20 : memref<!tpu.dma_semaphore, #tpu.memory_space<semaphore_mem>>) src(%dma_wait3A_259 : memref<128x64xf32, #tpu.memory_space<hbm>>) dst(%arg11 : memref<128x64xf32, #tpu.memory_space<vmem>>)
      %dma_wait3A_260 = arith.constant 0 : i32
      %dma_wait3A_261 = arith.constant 0 : i32
      %dma_wait3A_262 = tpu.memref_slice %arg5[%dma_wait3A_260, %dma_wait3A_261] : memref<409600x64xf32, #tpu.memory_space<hbm>> -> memref<128x64xf32, #tpu.memory_space<hbm>>
      %dma_wait3A_263 = arith.constant 0 : i32
      %dma_wait3A_264 = arith.constant 0 : i32
      %dma_wait3A_265 = tpu.memref_slice %arg5[%dma_wait3A_263, %dma_wait3A_264] : memref<409600x64xf32, #tpu.memory_space<hbm>> -> memref<128x64xf32, #tpu.memory_space<hbm>>
      tpu.wait_dma2 semaphore(%arg20 : memref<!tpu.dma_semaphore, #tpu.memory_space<semaphore_mem>>) src(%dma_wait3A_265 : memref<128x64xf32, #tpu.memory_space<hbm>>) dst(%arg12 : memref<128x64xf32, #tpu.memory_space<vmem>>)
      %add3A_266 = arith.constant 2 : i32
      %add3A_267 = arith.addi %mul3A_71, %add3A_266 : i32
      %lt3A = arith.constant 20 : i32
      %lt3A_268 = arith.cmpi slt, %add3A_267, %lt3A : i32
      %convert_element_type3A_269 = arith.extui %lt3A_268 : i1 to i32
      %cond3A_270 = arith.constant 0 : i32
      %cond3A_271 = arith.cmpi ne, %convert_element_type3A_269, %cond3A_270 : i32
      scf.if %cond3A_271 {
        %add3A_324 = arith.constant 2 : i32
        %add3A_325 = arith.addi %mul3A_71, %add3A_324 : i32
        %mul3A_326 = arith.constant 5 : i32
        %mul3A_327 = arith.muli %add3A_325, %mul3A_326 : i32
        %add3A_328 = arith.constant 0 : i32
        %add3A_329 = arith.addi %mul3A_327, %add3A_328 : i32
        %dma_start3A_330 = arith.constant 0 : i32
        %dma_start3A_331 = tpu.memref_slice %arg6[%add3A_329, %dma_start3A_330] : memref<100x128xi32, #tpu.memory_space<vmem>> -> memref<1x128xi32, #tpu.memory_space<vmem>>
        %dma_start3A_332 = tpu.memref_squeeze %dma_start3A_331 : memref<1x128xi32, #tpu.memory_space<vmem>> -> memref<128xi32, #tpu.memory_space<vmem>>
        %dma_start3A_333 = arith.constant 0 : i32
        %dma_start3A_334 = arith.constant 0 : i32
        %dma_start3A_335 = tpu.memref_slice %arg2[%dma_start3A_333, %dma_start3A_334] : memref<1000000x64xf32, #tpu.memory_space<hbm>> -> memref<1000000x64xf32, #tpu.memory_space<hbm>>
        tpu.enqueue_indirect_dma source(%dma_start3A_335 : memref<1000000x64xf32, #tpu.memory_space<hbm>>) target(%arg8 : memref<128x64xf32, #tpu.memory_space<vmem>>) offsets(%dma_start3A_332 : memref<128xi32, #tpu.memory_space<vmem>>) semaphore(%arg18 : memref<!tpu.dma_semaphore, #tpu.memory_space<semaphore_mem>>)
        %mul3A_336 = arith.constant 5 : i32
        %mul3A_337 = arith.muli %add3A_325, %mul3A_336 : i32
        %add3A_338 = arith.constant 1 : i32
        %add3A_339 = arith.addi %mul3A_337, %add3A_338 : i32
        %dma_start3A_340 = arith.constant 0 : i32
        %dma_start3A_341 = tpu.memref_slice %arg6[%add3A_339, %dma_start3A_340] : memref<100x128xi32, #tpu.memory_space<vmem>> -> memref<1x128xi32, #tpu.memory_space<vmem>>
        %dma_start3A_342 = tpu.memref_squeeze %dma_start3A_341 : memref<1x128xi32, #tpu.memory_space<vmem>> -> memref<128xi32, #tpu.memory_space<vmem>>
        %dma_start3A_343 = arith.constant 0 : i32
        %dma_start3A_344 = arith.constant 0 : i32
        %dma_start3A_345 = tpu.memref_slice %arg2[%dma_start3A_343, %dma_start3A_344] : memref<1000000x64xf32, #tpu.memory_space<hbm>> -> memref<1000000x64xf32, #tpu.memory_space<hbm>>
        tpu.enqueue_indirect_dma source(%dma_start3A_345 : memref<1000000x64xf32, #tpu.memory_space<hbm>>) target(%arg9 : memref<128x64xf32, #tpu.memory_space<vmem>>) offsets(%dma_start3A_342 : memref<128xi32, #tpu.memory_space<vmem>>) semaphore(%arg18 : memref<!tpu.dma_semaphore, #tpu.memory_space<semaphore_mem>>)
        %mul3A_346 = arith.constant 5 : i32
        %mul3A_347 = arith.muli %add3A_325, %mul3A_346 : i32
        %add3A_348 = arith.constant 2 : i32
        %add3A_349 = arith.addi %mul3A_347, %add3A_348 : i32
        %dma_start3A_350 = arith.constant 0 : i32
        %dma_start3A_351 = tpu.memref_slice %arg6[%add3A_349, %dma_start3A_350] : memref<100x128xi32, #tpu.memory_space<vmem>> -> memref<1x128xi32, #tpu.memory_space<vmem>>
        %dma_start3A_352 = tpu.memref_squeeze %dma_start3A_351 : memref<1x128xi32, #tpu.memory_space<vmem>> -> memref<128xi32, #tpu.memory_space<vmem>>
        %dma_start3A_353 = arith.constant 0 : i32
        %dma_start3A_354 = arith.constant 0 : i32
        %dma_start3A_355 = tpu.memref_slice %arg2[%dma_start3A_353, %dma_start3A_354] : memref<1000000x64xf32, #tpu.memory_space<hbm>> -> memref<1000000x64xf32, #tpu.memory_space<hbm>>
        tpu.enqueue_indirect_dma source(%dma_start3A_355 : memref<1000000x64xf32, #tpu.memory_space<hbm>>) target(%arg10 : memref<128x64xf32, #tpu.memory_space<vmem>>) offsets(%dma_start3A_352 : memref<128xi32, #tpu.memory_space<vmem>>) semaphore(%arg18 : memref<!tpu.dma_semaphore, #tpu.memory_space<semaphore_mem>>)
        %mul3A_356 = arith.constant 5 : i32
        %mul3A_357 = arith.muli %add3A_325, %mul3A_356 : i32
        %add3A_358 = arith.constant 3 : i32
        %add3A_359 = arith.addi %mul3A_357, %add3A_358 : i32
        %dma_start3A_360 = arith.constant 0 : i32
        %dma_start3A_361 = tpu.memref_slice %arg6[%add3A_359, %dma_start3A_360] : memref<100x128xi32, #tpu.memory_space<vmem>> -> memref<1x128xi32, #tpu.memory_space<vmem>>
        %dma_start3A_362 = tpu.memref_squeeze %dma_start3A_361 : memref<1x128xi32, #tpu.memory_space<vmem>> -> memref<128xi32, #tpu.memory_space<vmem>>
        %dma_start3A_363 = arith.constant 0 : i32
        %dma_start3A_364 = arith.constant 0 : i32
        %dma_start3A_365 = tpu.memref_slice %arg2[%dma_start3A_363, %dma_start3A_364] : memref<1000000x64xf32, #tpu.memory_space<hbm>> -> memref<1000000x64xf32, #tpu.memory_space<hbm>>
        tpu.enqueue_indirect_dma source(%dma_start3A_365 : memref<1000000x64xf32, #tpu.memory_space<hbm>>) target(%arg11 : memref<128x64xf32, #tpu.memory_space<vmem>>) offsets(%dma_start3A_362 : memref<128xi32, #tpu.memory_space<vmem>>) semaphore(%arg18 : memref<!tpu.dma_semaphore, #tpu.memory_space<semaphore_mem>>)
        %mul3A_366 = arith.constant 5 : i32
        %mul3A_367 = arith.muli %add3A_325, %mul3A_366 : i32
        %add3A_368 = arith.constant 4 : i32
        %add3A_369 = arith.addi %mul3A_367, %add3A_368 : i32
        %dma_start3A_370 = arith.constant 0 : i32
        %dma_start3A_371 = tpu.memref_slice %arg6[%add3A_369, %dma_start3A_370] : memref<100x128xi32, #tpu.memory_space<vmem>> -> memref<1x128xi32, #tpu.memory_space<vmem>>
        %dma_start3A_372 = tpu.memref_squeeze %dma_start3A_371 : memref<1x128xi32, #tpu.memory_space<vmem>> -> memref<128xi32, #tpu.memory_space<vmem>>
        %dma_start3A_373 = arith.constant 0 : i32
        %dma_start3A_374 = arith.constant 0 : i32
        %dma_start3A_375 = tpu.memref_slice %arg2[%dma_start3A_373, %dma_start3A_374] : memref<1000000x64xf32, #tpu.memory_space<hbm>> -> memref<1000000x64xf32, #tpu.memory_space<hbm>>
        tpu.enqueue_indirect_dma source(%dma_start3A_375 : memref<1000000x64xf32, #tpu.memory_space<hbm>>) target(%arg12 : memref<128x64xf32, #tpu.memory_space<vmem>>) offsets(%dma_start3A_372 : memref<128xi32, #tpu.memory_space<vmem>>) semaphore(%arg18 : memref<!tpu.dma_semaphore, #tpu.memory_space<semaphore_mem>>)
      } else {
      }
      %add3A_272 = arith.constant 1 : i32
      %add3A_273 = arith.addi %mul3A_71, %add3A_272 : i32
      %mul3A_274 = arith.constant 5 : i32
      %mul3A_275 = arith.muli %add3A_273, %mul3A_274 : i32
      %add3A_276 = arith.constant 0 : i32
      %add3A_277 = arith.addi %mul3A_275, %add3A_276 : i32
      %dma_start3A_278 = arith.constant 0 : i32
      %dma_start3A_279 = tpu.memref_slice %arg7[%add3A_277, %dma_start3A_278] : memref<100x128xi32, #tpu.memory_space<vmem>> -> memref<1x128xi32, #tpu.memory_space<vmem>>
      %dma_start3A_280 = tpu.memref_squeeze %dma_start3A_279 : memref<1x128xi32, #tpu.memory_space<vmem>> -> memref<128xi32, #tpu.memory_space<vmem>>
      %dma_start3A_281 = arith.constant 0 : i32
      %dma_start3A_282 = arith.constant 0 : i32
      %dma_start3A_283 = tpu.memref_slice %arg5[%dma_start3A_281, %dma_start3A_282] : memref<409600x64xf32, #tpu.memory_space<hbm>> -> memref<409600x64xf32, #tpu.memory_space<hbm>>
      tpu.enqueue_indirect_dma source(%arg13 : memref<128x64xf32, #tpu.memory_space<vmem>>) target(%dma_start3A_283 : memref<409600x64xf32, #tpu.memory_space<hbm>>) offsets(%dma_start3A_280 : memref<128xi32, #tpu.memory_space<vmem>>) semaphore(%arg21 : memref<!tpu.dma_semaphore, #tpu.memory_space<semaphore_mem>>)
      %mul3A_284 = arith.constant 5 : i32
      %mul3A_285 = arith.muli %add3A_273, %mul3A_284 : i32
      %add3A_286 = arith.constant 1 : i32
      %add3A_287 = arith.addi %mul3A_285, %add3A_286 : i32
      %dma_start3A_288 = arith.constant 0 : i32
      %dma_start3A_289 = tpu.memref_slice %arg7[%add3A_287, %dma_start3A_288] : memref<100x128xi32, #tpu.memory_space<vmem>> -> memref<1x128xi32, #tpu.memory_space<vmem>>
      %dma_start3A_290 = tpu.memref_squeeze %dma_start3A_289 : memref<1x128xi32, #tpu.memory_space<vmem>> -> memref<128xi32, #tpu.memory_space<vmem>>
      %dma_start3A_291 = arith.constant 0 : i32
      %dma_start3A_292 = arith.constant 0 : i32
      %dma_start3A_293 = tpu.memref_slice %arg5[%dma_start3A_291, %dma_start3A_292] : memref<409600x64xf32, #tpu.memory_space<hbm>> -> memref<409600x64xf32, #tpu.memory_space<hbm>>
      tpu.enqueue_indirect_dma source(%arg14 : memref<128x64xf32, #tpu.memory_space<vmem>>) target(%dma_start3A_293 : memref<409600x64xf32, #tpu.memory_space<hbm>>) offsets(%dma_start3A_290 : memref<128xi32, #tpu.memory_space<vmem>>) semaphore(%arg21 : memref<!tpu.dma_semaphore, #tpu.memory_space<semaphore_mem>>)
      %mul3A_294 = arith.constant 5 : i32
      %mul3A_295 = arith.muli %add3A_273, %mul3A_294 : i32
      %add3A_296 = arith.constant 2 : i32
      %add3A_297 = arith.addi %mul3A_295, %add3A_296 : i32
      %dma_start3A_298 = arith.constant 0 : i32
      %dma_start3A_299 = tpu.memref_slice %arg7[%add3A_297, %dma_start3A_298] : memref<100x128xi32, #tpu.memory_space<vmem>> -> memref<1x128xi32, #tpu.memory_space<vmem>>
      %dma_start3A_300 = tpu.memref_squeeze %dma_start3A_299 : memref<1x128xi32, #tpu.memory_space<vmem>> -> memref<128xi32, #tpu.memory_space<vmem>>
      %dma_start3A_301 = arith.constant 0 : i32
      %dma_start3A_302 = arith.constant 0 : i32
      %dma_start3A_303 = tpu.memref_slice %arg5[%dma_start3A_301, %dma_start3A_302] : memref<409600x64xf32, #tpu.memory_space<hbm>> -> memref<409600x64xf32, #tpu.memory_space<hbm>>
      tpu.enqueue_indirect_dma source(%arg15 : memref<128x64xf32, #tpu.memory_space<vmem>>) target(%dma_start3A_303 : memref<409600x64xf32, #tpu.memory_space<hbm>>) offsets(%dma_start3A_300 : memref<128xi32, #tpu.memory_space<vmem>>) semaphore(%arg21 : memref<!tpu.dma_semaphore, #tpu.memory_space<semaphore_mem>>)
      %mul3A_304 = arith.constant 5 : i32
      %mul3A_305 = arith.muli %add3A_273, %mul3A_304 : i32
      %add3A_306 = arith.constant 3 : i32
      %add3A_307 = arith.addi %mul3A_305, %add3A_306 : i32
      %dma_start3A_308 = arith.constant 0 : i32
      %dma_start3A_309 = tpu.memref_slice %arg7[%add3A_307, %dma_start3A_308] : memref<100x128xi32, #tpu.memory_space<vmem>> -> memref<1x128xi32, #tpu.memory_space<vmem>>
      %dma_start3A_310 = tpu.memref_squeeze %dma_start3A_309 : memref<1x128xi32, #tpu.memory_space<vmem>> -> memref<128xi32, #tpu.memory_space<vmem>>
      %dma_start3A_311 = arith.constant 0 : i32
      %dma_start3A_312 = arith.constant 0 : i32
      %dma_start3A_313 = tpu.memref_slice %arg5[%dma_start3A_311, %dma_start3A_312] : memref<409600x64xf32, #tpu.memory_space<hbm>> -> memref<409600x64xf32, #tpu.memory_space<hbm>>
      tpu.enqueue_indirect_dma source(%arg16 : memref<128x64xf32, #tpu.memory_space<vmem>>) target(%dma_start3A_313 : memref<409600x64xf32, #tpu.memory_space<hbm>>) offsets(%dma_start3A_310 : memref<128xi32, #tpu.memory_space<vmem>>) semaphore(%arg21 : memref<!tpu.dma_semaphore, #tpu.memory_space<semaphore_mem>>)
      %mul3A_314 = arith.constant 5 : i32
      %mul3A_315 = arith.muli %add3A_273, %mul3A_314 : i32
      %add3A_316 = arith.constant 4 : i32
      %add3A_317 = arith.addi %mul3A_315, %add3A_316 : i32
      %dma_start3A_318 = arith.constant 0 : i32
      %dma_start3A_319 = tpu.memref_slice %arg7[%add3A_317, %dma_start3A_318] : memref<100x128xi32, #tpu.memory_space<vmem>> -> memref<1x128xi32, #tpu.memory_space<vmem>>
      %dma_start3A_320 = tpu.memref_squeeze %dma_start3A_319 : memref<1x128xi32, #tpu.memory_space<vmem>> -> memref<128xi32, #tpu.memory_space<vmem>>
      %dma_start3A_321 = arith.constant 0 : i32
      %dma_start3A_322 = arith.constant 0 : i32
      %dma_start3A_323 = tpu.memref_slice %arg5[%dma_start3A_321, %dma_start3A_322] : memref<409600x64xf32, #tpu.memory_space<hbm>> -> memref<409600x64xf32, #tpu.memory_space<hbm>>
      tpu.enqueue_indirect_dma source(%arg17 : memref<128x64xf32, #tpu.memory_space<vmem>>) target(%dma_start3A_323 : memref<409600x64xf32, #tpu.memory_space<hbm>>) offsets(%dma_start3A_320 : memref<128xi32, #tpu.memory_space<vmem>>) semaphore(%arg21 : memref<!tpu.dma_semaphore, #tpu.memory_space<semaphore_mem>>)
    }
    %scan3A_39 = arith.constant 10 : i32
    %dma_wait3A = arith.constant 0 : i32
    %dma_wait3A_40 = arith.constant 0 : i32
    %dma_wait3A_41 = tpu.memref_slice %arg5[%dma_wait3A, %dma_wait3A_40] : memref<409600x64xf32, #tpu.memory_space<hbm>> -> memref<128x64xf32, #tpu.memory_space<hbm>>
    %dma_wait3A_42 = arith.constant 0 : i32
    %dma_wait3A_43 = arith.constant 0 : i32
    %dma_wait3A_44 = tpu.memref_slice %arg5[%dma_wait3A_42, %dma_wait3A_43] : memref<409600x64xf32, #tpu.memory_space<hbm>> -> memref<128x64xf32, #tpu.memory_space<hbm>>
    tpu.wait_dma2 semaphore(%arg21 : memref<!tpu.dma_semaphore, #tpu.memory_space<semaphore_mem>>) src(%dma_wait3A_44 : memref<128x64xf32, #tpu.memory_space<hbm>>) dst(%arg13 : memref<128x64xf32, #tpu.memory_space<vmem>>)
    %dma_wait3A_45 = arith.constant 0 : i32
    %dma_wait3A_46 = arith.constant 0 : i32
    %dma_wait3A_47 = tpu.memref_slice %arg5[%dma_wait3A_45, %dma_wait3A_46] : memref<409600x64xf32, #tpu.memory_space<hbm>> -> memref<128x64xf32, #tpu.memory_space<hbm>>
    %dma_wait3A_48 = arith.constant 0 : i32
    %dma_wait3A_49 = arith.constant 0 : i32
    %dma_wait3A_50 = tpu.memref_slice %arg5[%dma_wait3A_48, %dma_wait3A_49] : memref<409600x64xf32, #tpu.memory_space<hbm>> -> memref<128x64xf32, #tpu.memory_space<hbm>>
    tpu.wait_dma2 semaphore(%arg21 : memref<!tpu.dma_semaphore, #tpu.memory_space<semaphore_mem>>) src(%dma_wait3A_50 : memref<128x64xf32, #tpu.memory_space<hbm>>) dst(%arg14 : memref<128x64xf32, #tpu.memory_space<vmem>>)
    %dma_wait3A_51 = arith.constant 0 : i32
    %dma_wait3A_52 = arith.constant 0 : i32
    %dma_wait3A_53 = tpu.memref_slice %arg5[%dma_wait3A_51, %dma_wait3A_52] : memref<409600x64xf32, #tpu.memory_space<hbm>> -> memref<128x64xf32, #tpu.memory_space<hbm>>
    %dma_wait3A_54 = arith.constant 0 : i32
    %dma_wait3A_55 = arith.constant 0 : i32
    %dma_wait3A_56 = tpu.memref_slice %arg5[%dma_wait3A_54, %dma_wait3A_55] : memref<409600x64xf32, #tpu.memory_space<hbm>> -> memref<128x64xf32, #tpu.memory_space<hbm>>
    tpu.wait_dma2 semaphore(%arg21 : memref<!tpu.dma_semaphore, #tpu.memory_space<semaphore_mem>>) src(%dma_wait3A_56 : memref<128x64xf32, #tpu.memory_space<hbm>>) dst(%arg15 : memref<128x64xf32, #tpu.memory_space<vmem>>)
    %dma_wait3A_57 = arith.constant 0 : i32
    %dma_wait3A_58 = arith.constant 0 : i32
    %dma_wait3A_59 = tpu.memref_slice %arg5[%dma_wait3A_57, %dma_wait3A_58] : memref<409600x64xf32, #tpu.memory_space<hbm>> -> memref<128x64xf32, #tpu.memory_space<hbm>>
    %dma_wait3A_60 = arith.constant 0 : i32
    %dma_wait3A_61 = arith.constant 0 : i32
    %dma_wait3A_62 = tpu.memref_slice %arg5[%dma_wait3A_60, %dma_wait3A_61] : memref<409600x64xf32, #tpu.memory_space<hbm>> -> memref<128x64xf32, #tpu.memory_space<hbm>>
    tpu.wait_dma2 semaphore(%arg21 : memref<!tpu.dma_semaphore, #tpu.memory_space<semaphore_mem>>) src(%dma_wait3A_62 : memref<128x64xf32, #tpu.memory_space<hbm>>) dst(%arg16 : memref<128x64xf32, #tpu.memory_space<vmem>>)
    %dma_wait3A_63 = arith.constant 0 : i32
    %dma_wait3A_64 = arith.constant 0 : i32
    %dma_wait3A_65 = tpu.memref_slice %arg5[%dma_wait3A_63, %dma_wait3A_64] : memref<409600x64xf32, #tpu.memory_space<hbm>> -> memref<128x64xf32, #tpu.memory_space<hbm>>
    %dma_wait3A_66 = arith.constant 0 : i32
    %dma_wait3A_67 = arith.constant 0 : i32
    %dma_wait3A_68 = tpu.memref_slice %arg5[%dma_wait3A_66, %dma_wait3A_67] : memref<409600x64xf32, #tpu.memory_space<hbm>> -> memref<128x64xf32, #tpu.memory_space<hbm>>
    tpu.wait_dma2 semaphore(%arg21 : memref<!tpu.dma_semaphore, #tpu.memory_space<semaphore_mem>>) src(%dma_wait3A_68 : memref<128x64xf32, #tpu.memory_space<hbm>>) dst(%arg17 : memref<128x64xf32, #tpu.memory_space<vmem>>)
    return
  }
}

module attributes {stable_mosaic.version = 14 : i64} {
  func.func @_proj_body(%arg0: i32, %arg1: memref<1x8192x128xf32, #tpu.memory_space<vmem>>, %arg2: memref<128x128xf32, #tpu.memory_space<vmem>>, %arg3: memref<128x1xf32, #tpu.memory_space<vmem>>, %arg4: memref<2x64x8192xf32, #tpu.memory_space<vmem>>) attributes {dimension_semantics = [#tpu.dimension_semantics<arbitrary>], iteration_bounds = array<i64: 25>, scalar_prefetch = 0 : i64, scratch_operands = 0 : i64, tpu.core_type = #tpu.core_type<tc>, window_params = [{transform_indices = @transform_0, window_bounds = array<i64: 1, 8192, 128>}, {pipeline_mode = #tpu.pipeline_mode<synchronous>, transform_indices = @transform_1, window_bounds = array<i64: 128, 128>}, {pipeline_mode = #tpu.pipeline_mode<synchronous>, transform_indices = @transform_2, window_bounds = array<i64: 128, 1>}, {transform_indices = @transform_3, window_bounds = array<i64: 2, 64, 8192>}]} {
    %get3A = arith.constant 0 : index
    %get3A_0 = arith.constant 0 : index
    %get3A_1 = arith.constant 0 : index
    %get3A_2 = vector.load %arg1[%get3A, %get3A_0, %get3A_1] : memref<1x8192x128xf32, #tpu.memory_space<vmem>>, vector<1x8192x128xf32>
    %reshape3A = vector.shape_cast %get3A_2 : vector<1x8192x128xf32> to vector<8192x128xf32>
    %get3A_3 = arith.constant 0 : index
    %get3A_4 = arith.constant 0 : index
    %get3A_5 = vector.load %arg2[%get3A_3, %get3A_4] : memref<128x128xf32, #tpu.memory_space<vmem>>, vector<128x128xf32>
    %dot_general3A = arith.constant dense<0.000000e+00> : vector<128x8192xf32>
    %dot_general3A_6 = tpu.matmul %get3A_5, %reshape3A, %dot_general3A {dimension_numbers = #tpu.dot_dimension_numbers<[0], [1], [1], [0], [0, 1, 1, 0], [], []>, transpose_lhs_hint = false} : vector<128x128xf32>, vector<8192x128xf32>, vector<128x8192xf32> -> vector<128x8192xf32>
    %get3A_7 = arith.constant 0 : index
    %get3A_8 = arith.constant 0 : index
    %get3A_9 = vector.load %arg3[%get3A_7, %get3A_8] : memref<128x1xf32, #tpu.memory_space<vmem>>, vector<128x1xf32>
    %add3A = vector.broadcast %get3A_9 : vector<128x1xf32> to vector<128x8192xf32>
    %add3A_10 = arith.addf %dot_general3A_6, %add3A : vector<128x8192xf32>
    %reshape3A_11 = vector.shape_cast %add3A_10 : vector<128x8192xf32> to vector<2x64x8192xf32>
    %swap3A = arith.constant 0 : index
    %swap3A_12 = arith.constant 0 : index
    %swap3A_13 = arith.constant 0 : index
    %swap3A_14 = vector.load %arg4[%swap3A, %swap3A_12, %swap3A_13] : memref<2x64x8192xf32, #tpu.memory_space<vmem>>, vector<2x64x8192xf32>
    tpu.vector_store %arg4[%swap3A, %swap3A_12, %swap3A_13], %reshape3A_11 {strides = array<i32>} : memref<2x64x8192xf32, #tpu.memory_space<vmem>>, vector<2x64x8192xf32>,
    return
  }
  func.func @transform_0(%arg0: i32) -> (i32, i32, i32) {
    %c0_i32 = arith.constant 0 : i32
    %c0_i32_0 = arith.constant 0 : i32
    %c0_i32_1 = arith.constant 0 : i32
    return %arg0, %c0_i32, %c0_i32_0 : i32, i32, i32
  }
  func.func @transform_1(%arg0: i32) -> (i32, i32) {
    %c0_i32 = arith.constant 0 : i32
    %c0_i32_0 = arith.constant 0 : i32
    %c0_i32_1 = arith.constant 0 : i32
    return %c0_i32, %c0_i32_0 : i32, i32
  }
  func.func @transform_2(%arg0: i32) -> (i32, i32) {
    %c0_i32 = arith.constant 0 : i32
    %c0_i32_0 = arith.constant 0 : i32
    %c0_i32_1 = arith.constant 0 : i32
    return %c0_i32, %c0_i32_0 : i32, i32
  }
  func.func @transform_3(%arg0: i32) -> (i32, i32, i32) {
    %c0_i32 = arith.constant 0 : i32
    %c0_i32_0 = arith.constant 0 : i32
    %c0_i32_1 = arith.constant 0 : i32
    return %arg0, %c0_i32, %c0_i32_0 : i32, i32, i32
  }
}

module attributes {stable_mosaic.version = 14 : i64} {
  func.func @_proj_body2(%arg0: i32, %arg1: memref<1x8192x128xf32, #tpu.memory_space<vmem>>, %arg2: memref<128x128xf32, #tpu.memory_space<vmem>>, %arg3: memref<128x1xf32, #tpu.memory_space<vmem>>, %arg4: memref<50x64x16384xf32, #tpu.memory_space<any>>, %arg5: memref<2x64x8192xf32, #tpu.memory_space<vmem>>) attributes {dimension_semantics = [#tpu.dimension_semantics<arbitrary>], iteration_bounds = array<i64: 25>, scalar_prefetch = 0 : i64, scratch_operands = 0 : i64, tpu.core_type = #tpu.core_type<tc>, window_params = [{transform_indices = @transform_0, window_bounds = array<i64: 1, 8192, 128>}, {pipeline_mode = #tpu.pipeline_mode<synchronous>, transform_indices = @transform_1, window_bounds = array<i64: 128, 128>}, {pipeline_mode = #tpu.pipeline_mode<synchronous>, transform_indices = @transform_2, window_bounds = array<i64: 128, 1>}, {}, {transform_indices = @transform_4, window_bounds = array<i64: 2, 64, 8192>}]} {
    %get3A = arith.constant 0 : index
    %get3A_0 = arith.constant 0 : index
    %get3A_1 = arith.constant 0 : index
    %get3A_2 = vector.load %arg1[%get3A, %get3A_0, %get3A_1] : memref<1x8192x128xf32, #tpu.memory_space<vmem>>, vector<1x8192x128xf32>
    %reshape3A = vector.shape_cast %get3A_2 : vector<1x8192x128xf32> to vector<8192x128xf32>
    %get3A_3 = arith.constant 0 : index
    %get3A_4 = arith.constant 0 : index
    %get3A_5 = vector.load %arg2[%get3A_3, %get3A_4] : memref<128x128xf32, #tpu.memory_space<vmem>>, vector<128x128xf32>
    %dot_general3A = arith.constant dense<0.000000e+00> : vector<128x8192xf32>
    %dot_general3A_6 = tpu.matmul %get3A_5, %reshape3A, %dot_general3A {dimension_numbers = #tpu.dot_dimension_numbers<[0], [1], [1], [0], [0, 1, 1, 0], [], []>, transpose_lhs_hint = false} : vector<128x128xf32>, vector<8192x128xf32>, vector<128x8192xf32> -> vector<128x8192xf32>
    %get3A_7 = arith.constant 0 : index
    %get3A_8 = arith.constant 0 : index
    %get3A_9 = vector.load %arg3[%get3A_7, %get3A_8] : memref<128x1xf32, #tpu.memory_space<vmem>>, vector<128x1xf32>
    %add3A = vector.broadcast %get3A_9 : vector<128x1xf32> to vector<128x8192xf32>
    %add3A_10 = arith.addf %dot_general3A_6, %add3A : vector<128x8192xf32>
    %reshape3A_11 = vector.shape_cast %add3A_10 : vector<128x8192xf32> to vector<2x64x8192xf32>
    %swap3A = arith.constant 0 : index
    %swap3A_12 = arith.constant 0 : index
    %swap3A_13 = arith.constant 0 : index
    %swap3A_14 = vector.load %arg5[%swap3A, %swap3A_12, %swap3A_13] : memref<2x64x8192xf32, #tpu.memory_space<vmem>>, vector<2x64x8192xf32>
    tpu.vector_store %arg5[%swap3A, %swap3A_12, %swap3A_13], %reshape3A_11 {strides = array<i32>} : memref<2x64x8192xf32, #tpu.memory_space<vmem>>, vector<2x64x8192xf32>,
    return
  }
  func.func @transform_0(%arg0: i32) -> (i32, i32, i32) {
    %c0_i32 = arith.constant 0 : i32
    %c0_i32_0 = arith.constant 0 : i32
    %c0_i32_1 = arith.constant 0 : i32
    return %arg0, %c0_i32, %c0_i32_0 : i32, i32, i32
  }
  func.func @transform_1(%arg0: i32) -> (i32, i32) {
    %c0_i32 = arith.constant 0 : i32
    %c0_i32_0 = arith.constant 0 : i32
    %c0_i32_1 = arith.constant 0 : i32
    return %c0_i32, %c0_i32_0 : i32, i32
  }
  func.func @transform_2(%arg0: i32) -> (i32, i32) {
    %c0_i32 = arith.constant 0 : i32
    %c0_i32_0 = arith.constant 0 : i32
    %c0_i32_1 = arith.constant 0 : i32
    return %c0_i32, %c0_i32_0 : i32, i32
  }
  func.func @transform_4(%arg0: i32) -> (i32, i32, i32) {
    %c0_i32 = arith.constant 0 : i32
    %c1_i32 = arith.constant 1 : i32
    %c0_i32_0 = arith.constant 0 : i32
    return %arg0, %c0_i32, %c1_i32 : i32, i32, i32
  }
}

</mosaic_0001>

<sc_bundles>
// kernel: kernel.6.cloned.1.call-start
scs
__scs_entry_jumppad:
0x0: {  	(pc) =	sbr.rel $0x88, $3  }
0x1: {  	(tag) =	ssettag $0x0;
	lr =	simm.s32 $0x1  }
0x2: {  	[smem:$0x3F9D] =	sst lr;
	_ =	strace $0xD0000000  }
0x3: {  	_ = 	snop  }
0x4: {  	_ = 	snop  }
0x5: {  	_ = 	snop  }
0x6: {  	_ = 	snop  }
0x7: {  	_ = 	snop  }
__scs_overlays_trampoline_lowered:
0x8: {  	[smem:$0x3FAC] =	sst s0  }
0x9: {  	[smem:$0x3FAD] =	sst s1  }
0xa: {  	[smem:$0x3FAE] =	sst s2  }
0xb: {  	[smem:$0x3FAF] =	sst s3  }
0xc: {  	[smem:$0x3FB0] =	sst s4  }
0xd: {  	[smem:$0x3FB1] =	sst s5  }
0xe: {  	[smem:$0x3FB2] =	sst s6  }
0xf: {  	[smem:$0x3FB3] =	sst s7  }
0x10: {  	[smem:$0x3FB4] =	sst s8  }
0x11: {  	[smem:$0x3FB5] =	sst s9;
	s0 =	simm.s32 @!p0 $0x0  }
0x12: {  	s1 =	sld [smem:$0x3F9B];
	s0 =	simm.s32 @p0 $0x1  }
0x13: {  	[smem:$0x3FB6] =	sst s0;
	s0 =	simm.s32 @!p1 $0x0  }
0x14: {  	s2 =	sld [smem:$0x3F9A];
	s0 =	simm.s32 @p1 $0x1  }
0x15: {  	[smem:$0x3FB7] =	sst s0;
	s0 =	simm.s32 @!p2 $0x0  }
0x16: {  	s3 =	sld [smem:$0x3FDB];
	s0 =	simm.s32 @p2 $0x1  }
0x17: {  	s4 =	simm.s32 $0x1BF5;
	[smem:$0x3FB9] =	sst s0  }
0x18: {  	s0 =	sld [smem:$0x3F9C];
	_ =	swait.ge [sflag:s4], $0x0  }
0x19: {  	s7 =	sld [smem:$0x3F9D]  }
0x1a: {  	s8 =	sadd.s32 $0xFFFFE003, lr  }
0x1b: {  	s9 =	sadd.s32 $0xFFFFFEF7, lr;
	s5 =	simm.s32 $0xFFFFFFFF;
	p2 =	slt.u32 s8, $0xFFFFF086  }
0x1c: {  	p1 =	slt.u32 s9, $0xF7A;
	s5 =	simm.s32 @!p2 $0x0  }
0x1d: {  	s5 =	simm.s32 @p1 $0x1;
	p0 =	seq.s32 s7, s2  }
0x1e: {  	s7 =	smul.u32 @!p0 $0xF7A, s2;
	p2 =	seq.s32 @!p0 s5, $0x0  }
0x1f: {  	s9 =	smul.u32 $0xF7A, s1;
	s8 =	simm.s32 @!p0 $0x1BF5;
	p2 =	por !p2, p0  }
0x20: {  	[sflag:s8] =	ssyncset.s32 @!p0 $0xFFFFF086;
	s6 =	sadd.s32 @!p0 s3, s7;
	s7 =	simm.s32 @!p0 $0x108  }
0x21: {  	s3 =	sadd.s32 s3, s9;
	s6 =	sadd.s32 @!p0 $0x88, s6;
	s7 =	simm.s32 @p2 $0x1082  }
0x22: {  	[simem:s7], [sflag:s8] =	dma.local @!p0 [hbm:s6], $0xF7A  }
0x23: {  	s9 =	sor.u32 $0xD0000000, s2;
	s6 =	simm.s32 $0x108;
	_ =	swait.ge @!p0 [sflag:s8], $0x0  }
0x24: {  	s3 =	sadd.s32 $0x88, s3;
	s6 =	simm.s32 @!p1 $0x1082;
	[sflag:s4] =	ssyncset.s32 $0xFFFFF086  }
0x25: {  	[simem:s6], [sflag:s4] =	dma.local [hbm:s3], $0xF7A  }
0x26: {  	[smem:$0x3F9D] =	sst s1;
	(tag) =	ssettag s2;
	_ =	strace s9  }
0x27: {  	s1 =	sld [smem:$0x3FAD]  }
0x28: {  	s2 =	sld [smem:$0x3FAE]  }
0x29: {  	s4 =	sld [smem:$0x3FB0]  }
0x2a: {  	p0 =	seq.s32 s5, $0x0;
	s5 =	sld [smem:$0x3FB1]  }
0x2b: {  	s6 =	sld [smem:$0x3FB2]  }
0x2c: {  	s7 =	sld [smem:$0x3FB3]  }
0x2d: {  	s3 =	simm.s32 $0x108;
	s8 =	sld [smem:$0x3FB4]  }
0x2e: {  	s3 =	simm.s32 @!p0 $0x1082;
	s9 =	sld [smem:$0x3FB5]  }
0x2f: {  	lr =	sadd.s32 s0, s3;
	s0 =	sld [smem:$0x3FAC]  }
0x30: {  	s3 =	sld [smem:$0x3FAF]  }
0x31: {  	[smem:$0x3FB8] =	sst s10  }
0x32: {  	s10 =	sld [smem:$0x3FB6];
	_ =	sdelay $0x3  }
0x33: {  	p0 =	seq.s32 s10, $0x1;
	s10 =	sld [smem:$0x3FB8];
	_ =	sdelay $0x3  }
0x34: {  	[smem:$0x3FB8] =	sst s10  }
0x35: {  	s10 =	sld [smem:$0x3FB7];
	_ =	sdelay $0x3  }
0x36: {  	p1 =	seq.s32 s10, $0x1;
	s10 =	sld [smem:$0x3FB8];
	_ =	sdelay $0x3  }
0x37: {  	[smem:$0x3FB8] =	sst s10  }
0x38: {  	s10 =	sld [smem:$0x3FB9]  }
0x39: {  	_ = 	snop;
	(pc) =	sbr.ind lr, $3  }
0x3a: {  	_ = 	snop  }
0x3b: {  	_ = 	snop  }
0x3c: {  	p2 =	seq.s32 s10, $0x1;
	s10 =	sld [smem:$0x3FB8]  }
0x3d: {  	_ =	shalt  }
0x3e: {  	_ =	shalt  }
0x3f: {  	_ =	shalt  }
0x40: {  	_ =	shalt  }
0x41: {  	_ =	shalt  }
0x42: {  	_ =	shalt  }
0x43: {  	_ =	shalt  }
0x44: {  	_ =	shalt  }
0x45: {  	_ =	shalt  }
0x46: {  	_ =	shalt  }
0x47: {  	_ =	shalt  }
0x48: {  	_ =	shalt  }
0x49: {  	_ =	shalt  }
0x4a: {  	_ =	shalt  }
0x4b: {  	_ =	shalt  }
0x4c: {  	_ =	shalt  }
0x4d: {  	_ =	shalt  }
0x4e: {  	_ =	shalt  }
0x4f: {  	_ =	shalt  }
0x50: {  	_ =	shalt  }
0x51: {  	_ =	shalt  }
0x52: {  	_ =	shalt  }
0x53: {  	_ =	shalt  }
0x54: {  	_ =	shalt  }
0x55: {  	_ =	shalt  }
0x56: {  	_ =	shalt  }
0x57: {  	_ =	shalt  }
0x58: {  	_ =	shalt  }
0x59: {  	_ =	shalt  }
0x5a: {  	_ =	shalt  }
0x5b: {  	_ =	shalt  }
0x5c: {  	_ =	shalt  }
0x5d: {  	_ =	shalt  }
0x5e: {  	_ =	shalt  }
0x5f: {  	_ =	shalt  }
0x60: {  	_ =	shalt  }
0x61: {  	_ =	shalt  }
0x62: {  	_ =	shalt  }
0x63: {  	_ =	shalt  }
0x64: {  	_ =	shalt  }
0x65: {  	_ =	shalt  }
0x66: {  	_ =	shalt  }
0x67: {  	_ =	shalt  }
0x68: {  	_ =	shalt  }
0x69: {  	_ =	shalt  }
0x6a: {  	_ =	shalt  }
0x6b: {  	_ =	shalt  }
0x6c: {  	_ =	shalt  }
0x6d: {  	_ =	shalt  }
0x6e: {  	_ =	shalt  }
0x6f: {  	_ =	shalt  }
0x70: {  	_ =	shalt  }
0x71: {  	_ =	shalt  }
0x72: {  	_ =	shalt  }
0x73: {  	_ =	shalt  }
0x74: {  	_ =	shalt  }
0x75: {  	_ =	shalt  }
0x76: {  	_ =	shalt  }
0x77: {  	_ =	shalt  }
0x78: {  	_ =	shalt  }
0x79: {  	_ =	shalt  }
0x7a: {  	_ =	shalt  }
0x7b: {  	_ =	shalt  }
0x7c: {  	_ =	shalt  }
0x7d: {  	_ =	shalt  }
0x7e: {  	_ =	shalt  }
0x7f: {  	_ =	shalt  }
0x80: {  	_ =	shalt  }
0x81: {  	_ =	shalt  }
0x82: {  	_ =	shalt  }
0x83: {  	_ =	shalt  }
0x84: {  	_ =	shalt  }
0x85: {  	_ =	shalt  }
0x86: {  	_ =	shalt  }
0x87: {  	_ =	shalt  }
.Lfunc_end0:
.L_simem_size_0:
called_computation_lowered:
.L_overlay_start_0:
0x88: {  	s2 =	sld [smem:$0x3FD9]  }
0x89: {  	s3 =	sld [smem:$0x3FFE];
	_ =	sdelay $0x1  }
0x8a: {  	s1 =	srdreg.scid  }
0x8b: {  	s0 =	sand.u32 $0x1, s1  }
0x8c: {  	s17 =	sshll.u32 s0, $0xA;
	s2 =	sadd.s32 s3, s2  }
0x8d: {  	s2 =	sadd.s32 s2, s17  }
0x8e: {  	[smem:$0x3FC4] =	sst s2  }
0x8f: {  	_ = 	snop  }
0x90: {  	s2 =	sld [smem:$0x3FD0];
	(tm) =	ssettm $0x1  }
0x91: {  	s18 =	sld [smem:$0x3FFB];
	_ =	sdelay $0x3  }
0x92: {  	_ =	strace s18  }
0x93: {  	s3 =	sld [smem:$0x3FFC];
	_ =	sdelay $0x3  }
0x94: {  	_ =	strace s3  }
0x95: {  	s3 =	sld [smem:$0x3FFD];
	_ =	sdelay $0x3  }
0x96: {  	_ =	strace s3  }
0x97: {  	_ =	strace $0x8FFFFFFF  }
0x98: {  	s19 =	sld [smem:$0x3FDB];
	_ =	sdelay $0x1  }
0x99: {  	s4 =	simm.s32 $_scs_section_size  }
0x9a: {  	s5 =	simm.s32 $_size__tile_overlayer_lowered;
	s6 =	simm.s32 $_tile_overlayer_lowered  }
0x9b: {  	s22 =	simm.s32 $0x1BFF;
	s21 =	sshll.u32 s6, $0x1;
	s3 =	sadd.s32 s4, s19  }
0x9c: {  	s7 =	simm.s32 $0x0;
	s20 =	sshll.u32 s5, $0x1;
	s5 =	sadd.s32 s21, s3  }
0x9d: {  	[timem:s7], [sflag:s22] =	dma.local [hbm:s5], s20  }
0x9e: {  	_ =	swait.ge [sflag:s22], s20  }
0x9f: {  	s4 =	ssub.s32 $0x0, s20;
	[sflag:s22] =	ssyncset.done $0x0  }
0xa0: {  	[sflag:s22] =	ssyncadd.s32 s4;
	_ =	sdelay $0x1  }
0xa1: {  	s23 =	simm.s32 $0x1B8B  }
0xa2: {  	_ =	swait.ge [sflag:s23], $0x1  }
0xa3: {  	[sflag:s23] =	ssyncset.done $0x0  }
0xa4: {  	s25 =	simm.s32 $0x1B8E;
	s24 =	sld [smem:$0x3FFE];
	[sflag:s23] =	ssyncadd.s32 $0xFFFFFFFF  }
0xa5: {  	s26 =	simm.s32 $execute0_lowered;
	[smem:$0x3FD2] =	sst s25  }
0xa6: {  	s5 =	sshll.u32 s26, $0x1;
	_ =	strace $0x80000046;
	[dreg:$0x1] =	wrdreg $0xFFFFFFFF  }
0xa7: {  	s28 =	simm.s32 $_size_execute0_lowered;
	s3 =	sadd.s32 s3, s5;
	[dreg:$0x0] =	wrdreg $0x0  }
0xa8: {  	s5 =	sshll.u32 s28, $0x1;
	[dreg:$0x2] =	wrdreg s3  }
0xa9: {  	[dreg:$0x3] =	wrdreg s5  }
0xaa: {  	[dreg:$0x4] =	wrdreg $0xC0  }
0xab: {  	_ =	task [dreg:s7], $0x5FFFF  }
0xac: {  	[dreg:$0x1] =	wrdreg $0xFFFFFFFF  }
0xad: {  	[dreg:$0x0] =	wrdreg $0x60  }
0xae: {  	[dreg:$0x2] =	wrdreg s24  }
0xaf: {  	[dreg:$0x3] =	wrdreg s2  }
0xb0: {  	[dreg:$0x4] =	wrdreg $0x9  }
0xb1: {  	_ =	task.clear_ibuf [dreg:s7], $0x5FFFF;
	_ =	strace $0x90000046  }
0xb2: {  	s29 =	simm.s32 $0x9;
	_ =	strace $0x80000048  }
0xb3: {  	_ =	swait.ge [sflag:s29], $0x1  }
0xb4: {  	[sflag:s29] =	ssyncadd.s32 $0xFFFFFFFF  }
0xb5: {  	_ =	strace $0x90000048  }
0xb6: {  	_ =	sfence  }
0xb7: {  	s30 =	sld [smem:$0x0];
	_ =	sdelay $0x2  }
0xb8: {  	s31 =	sshll.u32 s1, $0xD;
	s1 =	sshrl.u32 s1, $0x2  }
0xb9: {  	s3 =	sand.u32 $0x4000, s31;
	s1 =	sadd.s32 s1, s30  }
0xba: {  	s0 =	sor.u32 s3, s0;
	s1 =	sshll.u32 s1, $0x11  }
0xbb: {  	s0 =	sor.u32 s1, s0  }
0xbc: {  	s0 =	sadd.s32 $0x8F2B, s0  }
0xbd: {  	[sflag:s0] =	ssyncadd.remote.s32 $0x1  }
0xbe: {  	_ =	sfence.sel $0xFFFF  }
0xbf: {  	[dreg:$0x0] =	wrdreg $0xFFFFFFFF;
	(pc) =	sbr.abs _section_cstart, $3  }
0xc0: {  	[dreg:$0x1] =	wrdreg $0xFFFFFFFF  }
0xc1: {  	_ =	task.clear_ibuf [dreg:s7], $0x2FFFF;
	_ =	strace $0x9FFFFFFF  }
0xc2: {  	(tm) =	ssettm $0x7FFFFFFF  }
0xc3: {  	_ =	shalt  }
tec
execute0_lowered:
.L_overlay_start_1:
0x0: {  	(tag) =	ssettag $0x1  }
0x1: {  	s1 =	rddreg [dreg:$0x0];
	s2 =	srdreg.scid  }
0x2: {  	s0 =	stileid.u32;
	s5 =	rddreg [dreg:$0x1];
	s10 =	simm.s32 $0x80  }
0x3: {  	s11 =	simm.s32 $0x6400;
	s12 =	simm.s32 $0x8400;
	s14 =	simm.s32 $0xA400  }
0x4: {  	s16 =	simm.s32 $0xC400;
	s17 =	simm.s32 $0x200;
	s18 =	simm.s32 $0xE400  }
0x5: {  	s19 =	simm.s32 $0x1;
	s20 =	simm.s32 $0x10400;
	s21 =	simm.s32 $0x12400  }
0x6: {  	s22 =	simm.s32 $0x14400;
	s23 =	simm.s32 $0x16400;
	s24 =	simm.s32 $0x18400  }
0x7: {  	s25 =	simm.s32 $0x2;
	s26 =	simm.s32 $0x3;
	s28 =	simm.s32 $0x4  }
0x8: {  	s3 =	sand.u32 $0x1, s2;
	s4 =	sshll.u32 s0, $0x1;
	s2 =	simm.s32 $0x0  }
0x9: {  	s29 =	simm.s32 $0x0;
	s4 =	sor.u32 s3, s4;
	[smem:$0x7FF] =	sst s2  }
0xa: {  	s7 =	ssub.s32 $0x2, s3;
	s3 =	sadd.s32 $0xF43C00, s1;
	s6 =	smul.u32 $0x640, s4  }
0xb: {  	_ =	strace $0x80000047;
	s8 =	sshrl.u32 s7, $0x1;
	s4 =	sadd.s32 $0xDE00, s1  }
0xc: {  	s31 =	ssub.s32 s7, s8;
	s8 =	simm.s32 $0x5;
	s9 =	sadd.s32 s6, s1  }
0xd: {  	s5 =	sadd.s32 s5, s6;
	s7 =	smax.u32 s31, $0x1;
	s6 =	sadd.s32 $0x1600, s9  }
.LBB2_1:
0xe: {  	[tilespmem:s2], [sflag:$0x5] =	stream.linear.gather [hbm4b:s5+s2], $0x3200, $0x38;
	[tilespmem:$0x1A400] =	vst v63  }
0xf: {  	_ =	swait.ge [sflag:s8], $0x3200  }
0x10: {  	[sflag:s8] =	ssyncset.done $0x0  }
0x11: {  	s0 =	simm.s32 $0x3200;
	[sflag:s8] =	ssyncadd.s32 $0xFFFFCE00  }
0x12: {  	[tilespmem:s0], [sflag:$0x5] =	stream.linear.gather [hbm4b:s6+s2], $0x3200, $0x38;
	[tilespmem:$0x1A400] =	vst v63  }
0x13: {  	_ =	swait.ge [sflag:s8], $0x3200  }
0x14: {  	[sflag:s8] =	ssyncset.done $0x0  }
0x15: {  	[sflag:s8] =	ssyncadd.s32 $0xFFFFCE00  }
0x16: {  	[tilespmem:s11], [sflag:$0x1] =	stream.indirect.gather [hbm4b:s3+s10], $0x40, s2, s10, $0xb8;
	[tilespmem:$0x1A400] =	vst v63  }
0x17: {  	_ = 	snop  }
0x18: {  	[tilespmem:s12], [sflag:$0x1] =	stream.indirect.gather [hbm4b:s3+s10], $0x40, s10, s10, $0xb8;
	[tilespmem:$0x1A400] =	vst v63  }
0x19: {  	s31 =	simm.s32 $0x100  }
0x1a: {  	[tilespmem:s14], [sflag:$0x1] =	stream.indirect.gather [hbm4b:s3+s10], $0x40, s31, s10, $0xb8;
	[tilespmem:$0x1A400] =	vst v63  }
0x1b: {  	s1 =	simm.s32 $0x180  }
0x1c: {  	[tilespmem:s16], [sflag:$0x1] =	stream.indirect.gather [hbm4b:s3+s10], $0x40, s1, s10, $0xb8;
	[tilespmem:$0x1A400] =	vst v63  }
0x1d: {  	_ = 	snop  }
0x1e: {  	[tilespmem:s18], [sflag:$0x1] =	stream.indirect.gather [hbm4b:s3+s10], $0x40, s17, s10, $0xb8;
	[tilespmem:$0x1A400] =	vst v63  }
0x1f: {  	_ =	swait.ge [sflag:s19], $0x2000  }
0x20: {  	[sflag:s19] =	ssyncset.done $0x0  }
0x21: {  	[sflag:s19] =	ssyncadd.s32 $0xFFFFE000  }
0x22: {  	_ =	swait.ge [sflag:s19], $0x2000  }
0x23: {  	[sflag:s19] =	ssyncset.done $0x0  }
0x24: {  	[sflag:s19] =	ssyncadd.s32 $0xFFFFE000  }
0x25: {  	_ =	swait.ge [sflag:s19], $0x2000  }
0x26: {  	[sflag:s19] =	ssyncset.done $0x0  }
0x27: {  	[sflag:s19] =	ssyncadd.s32 $0xFFFFE000  }
0x28: {  	_ =	swait.ge [sflag:s19], $0x2000  }
0x29: {  	[sflag:s19] =	ssyncset.done $0x0  }
0x2a: {  	[sflag:s19] =	ssyncadd.s32 $0xFFFFE000  }
0x2b: {  	_ =	swait.ge [sflag:s19], $0x2000  }
0x2c: {  	p0 =	por $0x1, $0x1;
	[sflag:s19] =	ssyncset.done $0x0  }
0x2d: {  	s1 =	simm.s32 @!p0 $0x4;
	[sflag:s19] =	ssyncadd.s32 $0xFFFFE000  }
0x2e: {  	_ =	swait.ge @!p0 [sflag:s1], $0x2000  }
0x2f: {  	[sflag:s1] =	ssyncset.done @!p0 $0x0  }
0x30: {  	[sflag:s1] =	ssyncadd.s32 @!p0 $0xFFFFE000  }
0x31: {  	_ =	swait.ge @!p0 [sflag:s1], $0x2000  }
0x32: {  	[sflag:s1] =	ssyncset.done @!p0 $0x0  }
0x33: {  	[sflag:s1] =	ssyncadd.s32 @!p0 $0xFFFFE000  }
0x34: {  	_ =	swait.ge @!p0 [sflag:s1], $0x2000  }
0x35: {  	[sflag:s1] =	ssyncset.done @!p0 $0x0  }
0x36: {  	[sflag:s1] =	ssyncadd.s32 @!p0 $0xFFFFE000  }
0x37: {  	_ =	swait.ge @!p0 [sflag:s1], $0x2000  }
0x38: {  	[sflag:s1] =	ssyncset.done @!p0 $0x0  }
0x39: {  	[sflag:s1] =	ssyncadd.s32 @!p0 $0xFFFFE000  }
0x3a: {  	_ =	swait.ge @!p0 [sflag:s1], $0x2000  }
0x3b: {  	[sflag:s1] =	ssyncset.done @!p0 $0x0  }
0x3c: {  	s9 =	simm.s32 $0x280;
	[sflag:s1] =	ssyncadd.s32 @!p0 $0xFFFFE000  }
0x3d: {  	[tilespmem:s20], [sflag:$0x2] =	stream.indirect.gather [hbm4b:s3+s10], $0x40, s9, s10, $0xb8;
	[tilespmem:$0x1A400] =	vst v63  }
0x3e: {  	s13 =	simm.s32 $0x300  }
0x3f: {  	[tilespmem:s21], [sflag:$0x2] =	stream.indirect.gather [hbm4b:s3+s10], $0x40, s13, s10, $0xb8;
	[tilespmem:$0x1A400] =	vst v63  }
0x40: {  	s15 =	simm.s32 $0x380  }
0x41: {  	[tilespmem:s22], [sflag:$0x2] =	stream.indirect.gather [hbm4b:s3+s10], $0x40, s15, s10, $0xb8;
	[tilespmem:$0x1A400] =	vst v63  }
0x42: {  	s31 =	simm.s32 $0x400  }
0x43: {  	[tilespmem:s23], [sflag:$0x2] =	stream.indirect.gather [hbm4b:s3+s10], $0x40, s31, s10, $0xb8;
	[tilespmem:$0x1A400] =	vst v63  }
0x44: {  	s0 =	simm.s32 $0x480  }
0x45: {  	[tilespmem:s24], [sflag:$0x2] =	stream.indirect.gather [hbm4b:s3+s10], $0x40, s0, s10, $0xb8;
	[tilespmem:$0x1A400] =	vst v63  }
0x46: {  	s9 =	simm.s32 $0x3200  }
0x47: {  	[hbm4b:s4+s10] =	stream.indirect.scatter [tilespmem:s11], [sflag:$0x3], $0x40, s9, s10, $0xb8;
	[tilespmem:$0x1A400] =	vst v63  }
0x48: {  	s13 =	simm.s32 $0x3280  }
0x49: {  	[hbm4b:s4+s10] =	stream.indirect.scatter [tilespmem:s12], [sflag:$0x3], $0x40, s13, s10, $0xb8;
	[tilespmem:$0x1A400] =	vst v63  }
0x4a: {  	s15 =	simm.s32 $0x3300  }
0x4b: {  	[hbm4b:s4+s10] =	stream.indirect.scatter [tilespmem:s14], [sflag:$0x3], $0x40, s15, s10, $0xb8;
	[tilespmem:$0x1A400] =	vst v63  }
0x4c: {  	s31 =	simm.s32 $0x3380  }
0x4d: {  	[hbm4b:s4+s10] =	stream.indirect.scatter [tilespmem:s16], [sflag:$0x3], $0x40, s31, s10, $0xb8;
	[tilespmem:$0x1A400] =	vst v63  }
0x4e: {  	s0 =	simm.s32 $0x3400  }
0x4f: {  	[hbm4b:s4+s10] =	stream.indirect.scatter [tilespmem:s18], [sflag:$0x3], $0x40, s0, s10, $0xb8;
	[tilespmem:$0x1A400] =	vst v63  }
0x50: {  	_ =	swait.ge [sflag:s25], $0x2000  }
0x51: {  	[sflag:s25] =	ssyncset.done $0x0  }
0x52: {  	[sflag:s25] =	ssyncadd.s32 $0xFFFFE000  }
0x53: {  	_ =	swait.ge [sflag:s25], $0x2000  }
0x54: {  	[sflag:s25] =	ssyncset.done $0x0  }
0x55: {  	[sflag:s25] =	ssyncadd.s32 $0xFFFFE000  }
0x56: {  	_ =	swait.ge [sflag:s25], $0x2000  }
0x57: {  	[sflag:s25] =	ssyncset.done $0x0  }
0x58: {  	[sflag:s25] =	ssyncadd.s32 $0xFFFFE000  }
0x59: {  	_ =	swait.ge [sflag:s25], $0x2000  }
0x5a: {  	[sflag:s25] =	ssyncset.done $0x0  }
0x5b: {  	[sflag:s25] =	ssyncadd.s32 $0xFFFFE000  }
0x5c: {  	_ =	swait.ge [sflag:s25], $0x2000  }
0x5d: {  	[sflag:s25] =	ssyncset.done $0x0  }
0x5e: {  	[sflag:s25] =	ssyncadd.s32 $0xFFFFE000  }
0x5f: {  	_ =	swait.ge [sflag:s26], $0x2000  }
0x60: {  	[sflag:s26] =	ssyncset.done $0x0  }
0x61: {  	[sflag:s26] =	ssyncadd.s32 $0xFFFFE000  }
0x62: {  	_ =	swait.ge [sflag:s26], $0x2000  }
0x63: {  	[sflag:s26] =	ssyncset.done $0x0  }
0x64: {  	[sflag:s26] =	ssyncadd.s32 $0xFFFFE000  }
0x65: {  	_ =	swait.ge [sflag:s26], $0x2000  }
0x66: {  	[sflag:s26] =	ssyncset.done $0x0  }
0x67: {  	[sflag:s26] =	ssyncadd.s32 $0xFFFFE000  }
0x68: {  	_ =	swait.ge [sflag:s26], $0x2000  }
0x69: {  	[sflag:s26] =	ssyncset.done $0x0  }
0x6a: {  	[sflag:s26] =	ssyncadd.s32 $0xFFFFE000  }
0x6b: {  	p0 =	por $0x0, $0x0;
	_ =	swait.ge [sflag:s26], $0x2000  }
0x6c: {  	s1 =	simm.s32 @!p0 $0x6400;
	[sflag:s26] =	ssyncset.done $0x0  }
0x6d: {  	s30 =	simm.s32 @!p0 $0x500;
	s31 =	simm.s32 @!p0 $0x80;
	[sflag:s26] =	ssyncadd.s32 $0xFFFFE000  }
0x6e: {  	[tilespmem:s1], [sflag:$0x1] =	stream.indirect.gather @!p0 [hbm4b:s3+s31], $0x40, s30, s31, $0xb8;
	[tilespmem:$0x1A400] =	vst v63  }
0x6f: {  	s1 =	simm.s32 @!p0 $0x580;
	s30 =	simm.s32 @!p0 $0x8400  }
0x70: {  	[tilespmem:s30], [sflag:$0x1] =	stream.indirect.gather @!p0 [hbm4b:s3+s31], $0x40, s1, s31, $0xb8;
	[tilespmem:$0x1A400] =	vst v63  }
0x71: {  	s1 =	simm.s32 @!p0 $0x600;
	s30 =	simm.s32 @!p0 $0xA400  }
0x72: {  	[tilespmem:s30], [sflag:$0x1] =	stream.indirect.gather @!p0 [hbm4b:s3+s31], $0x40, s1, s31, $0xb8;
	[tilespmem:$0x1A400] =	vst v63  }
0x73: {  	s1 =	simm.s32 @!p0 $0x680;
	s30 =	simm.s32 @!p0 $0xC400  }
0x74: {  	[tilespmem:s30], [sflag:$0x1] =	stream.indirect.gather @!p0 [hbm4b:s3+s31], $0x40, s1, s31, $0xb8;
	[tilespmem:$0x1A400] =	vst v63  }
0x75: {  	s1 =	simm.s32 @!p0 $0x700;
	s30 =	simm.s32 @!p0 $0xE400  }
0x76: {  	[tilespmem:s30], [sflag:$0x1] =	stream.indirect.gather @!p0 [hbm4b:s3+s31], $0x40, s1, s31, $0xb8;
	[tilespmem:$0x1A400] =	vst v63  }
0x77: {  	s9 =	simm.s32 $0x3480  }
0x78: {  	[hbm4b:s4+s10] =	stream.indirect.scatter [tilespmem:s20], [sflag:$0x4], $0x40, s9, s10, $0xb8;
	[tilespmem:$0x1A400] =	vst v63  }
0x79: {  	s13 =	simm.s32 $0x3500  }
0x7a: {  	[hbm4b:s4+s10] =	stream.indirect.scatter [tilespmem:s21], [sflag:$0x4], $0x40, s13, s10, $0xb8;
	[tilespmem:$0x1A400] =	vst v63  }
0x7b: {  	s15 =	simm.s32 $0x3580  }
0x7c: {  	[hbm4b:s4+s10] =	stream.indirect.scatter [tilespmem:s22], [sflag:$0x4], $0x40, s15, s10, $0xb8;
	[tilespmem:$0x1A400] =	vst v63  }
0x7d: {  	s31 =	simm.s32 $0x3600;
	s30 =	simm.s32 $0x1400;
	s1 =	simm.s32 $0x3680  }
0x7e: {  	[hbm4b:s4+s10] =	stream.indirect.scatter [tilespmem:s23], [sflag:$0x4], $0x40, s31, s10, $0xb8;
	[tilespmem:$0x1A400] =	vst v63  }
.LBB2_2:
0x7f: {  	[hbm4b:s4+s10] =	stream.indirect.scatter [tilespmem:s24], [sflag:$0x4], $0x40, s1, s10, $0xb8;
	[tilespmem:$0x1A400] =	vst v63  }
0x80: {  	s31 =	smov.u32 s30;
	s30 =	sadd.s32 $0x1400, s30;
	_ =	swait.ge [sflag:s19], $0x2000  }
0x81: {  	p0 =	sne.s32 s30, $0xC800;
	[sflag:s19] =	ssyncset.done $0x0  }
0x82: {  	[sflag:s19] =	ssyncadd.s32 $0xFFFFE000  }
0x83: {  	_ =	swait.ge [sflag:s19], $0x2000  }
0x84: {  	[sflag:s19] =	ssyncset.done $0x0  }
0x85: {  	[sflag:s19] =	ssyncadd.s32 $0xFFFFE000  }
0x86: {  	_ =	swait.ge [sflag:s19], $0x2000  }
0x87: {  	[sflag:s19] =	ssyncset.done $0x0  }
0x88: {  	[sflag:s19] =	ssyncadd.s32 $0xFFFFE000  }
0x89: {  	_ =	swait.ge [sflag:s19], $0x2000  }
0x8a: {  	[sflag:s19] =	ssyncset.done $0x0  }
0x8b: {  	[sflag:s19] =	ssyncadd.s32 $0xFFFFE000  }
0x8c: {  	_ =	swait.ge [sflag:s19], $0x2000  }
0x8d: {  	p1 =	seq.s32 s31, $0x0;
	[sflag:s19] =	ssyncset.done $0x0  }
0x8e: {  	s0 =	simm.s32 @!p1 $0x4;
	[sflag:s19] =	ssyncadd.s32 $0xFFFFE000  }
0x8f: {  	_ =	swait.ge @!p1 [sflag:s0], $0x2000  }
0x90: {  	[sflag:s0] =	ssyncset.done @!p1 $0x0  }
0x91: {  	[sflag:s0] =	ssyncadd.s32 @!p1 $0xFFFFE000  }
0x92: {  	_ =	swait.ge @!p1 [sflag:s0], $0x2000  }
0x93: {  	[sflag:s0] =	ssyncset.done @!p1 $0x0  }
0x94: {  	[sflag:s0] =	ssyncadd.s32 @!p1 $0xFFFFE000  }
0x95: {  	_ =	swait.ge @!p1 [sflag:s0], $0x2000  }
0x96: {  	[sflag:s0] =	ssyncset.done @!p1 $0x0  }
0x97: {  	[sflag:s0] =	ssyncadd.s32 @!p1 $0xFFFFE000  }
0x98: {  	_ =	swait.ge @!p1 [sflag:s0], $0x2000  }
0x99: {  	[sflag:s0] =	ssyncset.done @!p1 $0x0  }
0x9a: {  	[sflag:s0] =	ssyncadd.s32 @!p1 $0xFFFFE000  }
0x9b: {  	_ =	swait.ge @!p1 [sflag:s0], $0x2000  }
0x9c: {  	s1 =	sshra.s32 s31, $0x2;
	[sflag:s0] =	ssyncset.done @!p1 $0x0  }
0x9d: {  	[sflag:s0] =	ssyncadd.s32 @!p1 $0xFFFFE000;
	s0 =	sadd.s32 $0x280, s1  }
0x9e: {  	[tilespmem:s20], [sflag:$0x2] =	stream.indirect.gather [hbm4b:s3+s10], $0x40, s0, s10, $0xb8;
	[tilespmem:$0x1A400] =	vst v63  }
0x9f: {  	s0 =	sadd.s32 $0x300, s1  }
0xa0: {  	[tilespmem:s21], [sflag:$0x2] =	stream.indirect.gather [hbm4b:s3+s10], $0x40, s0, s10, $0xb8;
	[tilespmem:$0x1A400] =	vst v63  }
0xa1: {  	s0 =	sadd.s32 $0x380, s1  }
0xa2: {  	[tilespmem:s22], [sflag:$0x2] =	stream.indirect.gather [hbm4b:s3+s10], $0x40, s0, s10, $0xb8;
	[tilespmem:$0x1A400] =	vst v63  }
0xa3: {  	s0 =	sadd.s32 $0x400, s1  }
0xa4: {  	[tilespmem:s23], [sflag:$0x2] =	stream.indirect.gather [hbm4b:s3+s10], $0x40, s0, s10, $0xb8;
	[tilespmem:$0x1A400] =	vst v63  }
0xa5: {  	s0 =	sadd.s32 $0x480, s1  }
0xa6: {  	[tilespmem:s24], [sflag:$0x2] =	stream.indirect.gather [hbm4b:s3+s10], $0x40, s0, s10, $0xb8;
	[tilespmem:$0x1A400] =	vst v63  }
0xa7: {  	s0 =	sadd.s32 $0x3200, s1  }
0xa8: {  	[hbm4b:s4+s10] =	stream.indirect.scatter [tilespmem:s11], [sflag:$0x3], $0x40, s0, s10, $0xb8;
	[tilespmem:$0x1A400] =	vst v63  }
0xa9: {  	s0 =	sadd.s32 $0x3280, s1  }
0xaa: {  	[hbm4b:s4+s10] =	stream.indirect.scatter [tilespmem:s12], [sflag:$0x3], $0x40, s0, s10, $0xb8;
	[tilespmem:$0x1A400] =	vst v63  }
0xab: {  	s0 =	sadd.s32 $0x3300, s1  }
0xac: {  	[hbm4b:s4+s10] =	stream.indirect.scatter [tilespmem:s14], [sflag:$0x3], $0x40, s0, s10, $0xb8;
	[tilespmem:$0x1A400] =	vst v63  }
0xad: {  	s0 =	sadd.s32 $0x3380, s1  }
0xae: {  	[hbm4b:s4+s10] =	stream.indirect.scatter [tilespmem:s16], [sflag:$0x3], $0x40, s0, s10, $0xb8;
	[tilespmem:$0x1A400] =	vst v63  }
0xaf: {  	s0 =	sadd.s32 $0x3400, s1  }
0xb0: {  	[hbm4b:s4+s10] =	stream.indirect.scatter [tilespmem:s18], [sflag:$0x3], $0x40, s0, s10, $0xb8;
	[tilespmem:$0x1A400] =	vst v63  }
0xb1: {  	_ =	swait.ge [sflag:s25], $0x2000  }
0xb2: {  	[sflag:s25] =	ssyncset.done $0x0  }
0xb3: {  	[sflag:s25] =	ssyncadd.s32 $0xFFFFE000  }
0xb4: {  	_ =	swait.ge [sflag:s25], $0x2000  }
0xb5: {  	[sflag:s25] =	ssyncset.done $0x0  }
0xb6: {  	[sflag:s25] =	ssyncadd.s32 $0xFFFFE000  }
0xb7: {  	_ =	swait.ge [sflag:s25], $0x2000  }
0xb8: {  	[sflag:s25] =	ssyncset.done $0x0  }
0xb9: {  	[sflag:s25] =	ssyncadd.s32 $0xFFFFE000  }
0xba: {  	_ =	swait.ge [sflag:s25], $0x2000  }
0xbb: {  	[sflag:s25] =	ssyncset.done $0x0  }
0xbc: {  	[sflag:s25] =	ssyncadd.s32 $0xFFFFE000  }
0xbd: {  	_ =	swait.ge [sflag:s25], $0x2000  }
0xbe: {  	[sflag:s25] =	ssyncset.done $0x0  }
0xbf: {  	[sflag:s25] =	ssyncadd.s32 $0xFFFFE000  }
0xc0: {  	_ =	swait.ge [sflag:s26], $0x2000  }
0xc1: {  	[sflag:s26] =	ssyncset.done $0x0  }
0xc2: {  	[sflag:s26] =	ssyncadd.s32 $0xFFFFE000  }
0xc3: {  	_ =	swait.ge [sflag:s26], $0x2000  }
0xc4: {  	[sflag:s26] =	ssyncset.done $0x0  }
0xc5: {  	[sflag:s26] =	ssyncadd.s32 $0xFFFFE000  }
0xc6: {  	_ =	swait.ge [sflag:s26], $0x2000  }
0xc7: {  	[sflag:s26] =	ssyncset.done $0x0  }
0xc8: {  	[sflag:s26] =	ssyncadd.s32 $0xFFFFE000  }
0xc9: {  	_ =	swait.ge [sflag:s26], $0x2000  }
0xca: {  	[sflag:s26] =	ssyncset.done $0x0  }
0xcb: {  	[sflag:s26] =	ssyncadd.s32 $0xFFFFE000  }
0xcc: {  	p1 =	seq.s32 s31, $0xB400;
	_ =	swait.ge [sflag:s26], $0x2000  }
0xcd: {  	s0 =	sshra.s32 @!p1 s31, $0x2;
	s31 =	simm.s32 @!p1 $0x6400;
	[sflag:s26] =	ssyncset.done $0x0  }
0xce: {  	s13 =	simm.s32 @!p1 $0x80;
	s9 =	sadd.s32 @!p1 $0x500, s0;
	[sflag:s26] =	ssyncadd.s32 $0xFFFFE000  }
0xcf: {  	[tilespmem:s31], [sflag:$0x1] =	stream.indirect.gather @!p1 [hbm4b:s3+s13], $0x40, s9, s13, $0xb8;
	[tilespmem:$0x1A400] =	vst v63  }
0xd0: {  	s15 =	sadd.s32 @!p1 $0x600, s0;
	s9 =	sadd.s32 @!p1 $0x580, s0;
	s31 =	simm.s32 @!p1 $0x8400  }
0xd1: {  	[tilespmem:s31], [sflag:$0x1] =	stream.indirect.gather @!p1 [hbm4b:s3+s13], $0x40, s9, s13, $0xb8;
	[tilespmem:$0x1A400] =	vst v63  }
0xd2: {  	s9 =	simm.s32 @!p1 $0xA400;
	s31 =	sadd.s32 @!p1 $0x680, s0;
	s0 =	sadd.s32 @!p1 $0x700, s0  }
0xd3: {  	[tilespmem:s9], [sflag:$0x1] =	stream.indirect.gather @!p1 [hbm4b:s3+s13], $0x40, s15, s13, $0xb8;
	[tilespmem:$0x1A400] =	vst v63  }
0xd4: {  	s9 =	simm.s32 @!p1 $0xC400  }
0xd5: {  	[tilespmem:s9], [sflag:$0x1] =	stream.indirect.gather @!p1 [hbm4b:s3+s13], $0x40, s31, s13, $0xb8;
	[tilespmem:$0x1A400] =	vst v63  }
0xd6: {  	s9 =	simm.s32 @!p1 $0xE400  }
0xd7: {  	[tilespmem:s9], [sflag:$0x1] =	stream.indirect.gather @!p1 [hbm4b:s3+s13], $0x40, s0, s13, $0xb8;
	[tilespmem:$0x1A400] =	vst v63  }
0xd8: {  	s0 =	sadd.s32 $0x3480, s1  }
0xd9: {  	[hbm4b:s4+s10] =	stream.indirect.scatter [tilespmem:s20], [sflag:$0x4], $0x40, s0, s10, $0xb8;
	[tilespmem:$0x1A400] =	vst v63  }
0xda: {  	s0 =	sadd.s32 $0x3500, s1  }
0xdb: {  	[hbm4b:s4+s10] =	stream.indirect.scatter [tilespmem:s21], [sflag:$0x4], $0x40, s0, s10, $0xb8;
	[tilespmem:$0x1A400] =	vst v63  }
.Ltmp0:
0xdc: {  	s0 =	sadd.s32 $0x3580, s1;
	(pc) =	sbr.rel @p0 .LBB2_2-.Ltmp0, $4  }
0xdd: {  	[hbm4b:s4+s10] =	stream.indirect.scatter [tilespmem:s22], [sflag:$0x4], $0x40, s0, s10, $0xb8;
	[tilespmem:$0x1A400] =	vst v63  }
0xde: {  	s0 =	sadd.s32 $0x3600, s1  }
0xdf: {  	[hbm4b:s4+s10] =	stream.indirect.scatter [tilespmem:s23], [sflag:$0x4], $0x40, s0, s10, $0xb8;
	[tilespmem:$0x1A400] =	vst v63  }
0xe0: {  	s1 =	sadd.s32 $0x3680, s1  }
0xe1: {  	[hbm4b:s4+s10] =	stream.indirect.scatter [tilespmem:s24], [sflag:$0x4], $0x40, s1, s10, $0xb8;
	[tilespmem:$0x1A400] =	vst v63  }
0xe2: {  	_ =	swait.ge [sflag:s28], $0x2000  }
0xe3: {  	[sflag:s28] =	ssyncset.done $0x0  }
0xe4: {  	[sflag:s28] =	ssyncadd.s32 $0xFFFFE000  }
0xe5: {  	_ =	swait.ge [sflag:s28], $0x2000  }
0xe6: {  	[sflag:s28] =	ssyncset.done $0x0  }
0xe7: {  	[sflag:s28] =	ssyncadd.s32 $0xFFFFE000  }
0xe8: {  	_ =	swait.ge [sflag:s28], $0x2000  }
0xe9: {  	[sflag:s28] =	ssyncset.done $0x0  }
0xea: {  	s29 =	sadd.s32 $0x1, s29;
	[sflag:s28] =	ssyncadd.s32 $0xFFFFE000  }
0xeb: {  	p0 =	sne.s32 s29, s7;
	_ =	swait.ge [sflag:s28], $0x2000  }
.Ltmp1:
0xec: {  	[sflag:s28] =	ssyncset.done $0x0;
	(pc) =	sbr.rel @p0 .LBB2_1-.Ltmp1, $4  }
0xed: {  	[sflag:s28] =	ssyncadd.s32 $0xFFFFE000  }
0xee: {  	_ =	swait.ge [sflag:s28], $0x2000  }
0xef: {  	[sflag:s28] =	ssyncset.done $0x0  }
0xf0: {  	[sflag:s28] =	ssyncadd.s32 $0xFFFFE000  }
0xf1: {  	_ =	sfence.sel $0x180000  }
0xf2: {  	[bflag:$0x0] =	sbarrier.arrive $0xFFFF  }
0xf3: {  	_ =	strace $0x90000047  }
0xf4: {  	s0 =	stileid.u32;
	[bflag:$0x2] =	sbarrier.arrive $0xFFFF  }
0xf5: {  	p0 =	sne.s32 s0, $0x0;
	s0 =	rddreg [dreg:$0x2]  }
0xf6: {  	s0 =	sadd.s32 @!p0 $0x100000, s0  }
0xf7: {  	[sflag:s0] =	ssyncadd.tile.s32 @!p0 $0x1;
	_ =	shalt  }
.Lfunc_end2:
_tile_overlayer_lowered:
.L_overlay_start_2:
0xf8: {  	(tag) =	ssettag $0x2  }
0xf9: {  	s0 =	rddreg [dreg:$0x0];
	s2 =	stileid.u32  }
0xfa: {  	s1 =	rddreg [dreg:$0x1];
	p0 =	sne.s32 s2, $0x0  }
0xfb: {  	s3 =	rddreg [dreg:$0x2];
	[bflag:$0x3] =	sbarrier.arrive $0xFFFF;
	s2 =	simm.s32 @!p0 $0x1C05  }
0xfc: {  	[timem:s3], [sflag:s2] =	dma.local @!p0 [hbm:s0], s1  }
0xfd: {  	s0 =	simm.s32 @!p0 $0x5  }
0xfe: {  	_ =	swait.ge @!p0 [sflag:s0], s1  }
0xff: {  	s1 =	ssub.s32 @!p0 $0x0, s1;
	[sflag:s0] =	ssyncset.done @!p0 $0x0  }
0x100: {  	[sflag:s0] =	ssyncadd.s32 @!p0 s1  }
0x101: {  	[bflag:$0x3] =	sbarrier.arrive $0xFFFF  }
0x102: {  	_ =	shalt  }

// kernel: kernel.9.cloned.1.call-start
scs
__scs_entry_jumppad:
0x0: {  	(pc) =	sbr.rel $0x88, $3  }
0x1: {  	(tag) =	ssettag $0x0;
	lr =	simm.s32 $0x1  }
0x2: {  	[smem:$0x3F9D] =	sst lr;
	_ =	strace $0xD0000000  }
0x3: {  	_ = 	snop  }
0x4: {  	_ = 	snop  }
0x5: {  	_ = 	snop  }
0x6: {  	_ = 	snop  }
0x7: {  	_ = 	snop  }
__scs_overlays_trampoline_lowered:
0x8: {  	[smem:$0x3FAC] =	sst s0  }
0x9: {  	[smem:$0x3FAD] =	sst s1  }
0xa: {  	[smem:$0x3FAE] =	sst s2  }
0xb: {  	[smem:$0x3FAF] =	sst s3  }
0xc: {  	[smem:$0x3FB0] =	sst s4  }
0xd: {  	[smem:$0x3FB1] =	sst s5  }
0xe: {  	[smem:$0x3FB2] =	sst s6  }
0xf: {  	[smem:$0x3FB3] =	sst s7  }
0x10: {  	[smem:$0x3FB4] =	sst s8  }
0x11: {  	[smem:$0x3FB5] =	sst s9;
	s0 =	simm.s32 @!p0 $0x0  }
0x12: {  	s1 =	sld [smem:$0x3F9B];
	s0 =	simm.s32 @p0 $0x1  }
0x13: {  	[smem:$0x3FB6] =	sst s0;
	s0 =	simm.s32 @!p1 $0x0  }
0x14: {  	s2 =	sld [smem:$0x3F9A];
	s0 =	simm.s32 @p1 $0x1  }
0x15: {  	[smem:$0x3FB7] =	sst s0;
	s0 =	simm.s32 @!p2 $0x0  }
0x16: {  	s3 =	sld [smem:$0x3FDB];
	s0 =	simm.s32 @p2 $0x1  }
0x17: {  	s4 =	simm.s32 $0x1BF5;
	[smem:$0x3FB9] =	sst s0  }
0x18: {  	s0 =	sld [smem:$0x3F9C];
	_ =	swait.ge [sflag:s4], $0x0  }
0x19: {  	s7 =	sld [smem:$0x3F9D]  }
0x1a: {  	s8 =	sadd.s32 $0xFFFFE003, lr  }
0x1b: {  	s9 =	sadd.s32 $0xFFFFFEF7, lr;
	s5 =	simm.s32 $0xFFFFFFFF;
	p2 =	slt.u32 s8, $0xFFFFF086  }
0x1c: {  	p1 =	slt.u32 s9, $0xF7A;
	s5 =	simm.s32 @!p2 $0x0  }
0x1d: {  	s5 =	simm.s32 @p1 $0x1;
	p0 =	seq.s32 s7, s2  }
0x1e: {  	s7 =	smul.u32 @!p0 $0xF7A, s2;
	p2 =	seq.s32 @!p0 s5, $0x0  }
0x1f: {  	s9 =	smul.u32 $0xF7A, s1;
	s8 =	simm.s32 @!p0 $0x1BF5;
	p2 =	por !p2, p0  }
0x20: {  	[sflag:s8] =	ssyncset.s32 @!p0 $0xFFFFF086;
	s6 =	sadd.s32 @!p0 s3, s7;
	s7 =	simm.s32 @!p0 $0x108  }
0x21: {  	s3 =	sadd.s32 s3, s9;
	s6 =	sadd.s32 @!p0 $0x88, s6;
	s7 =	simm.s32 @p2 $0x1082  }
0x22: {  	[simem:s7], [sflag:s8] =	dma.local @!p0 [hbm:s6], $0xF7A  }
0x23: {  	s9 =	sor.u32 $0xD0000000, s2;
	s6 =	simm.s32 $0x108;
	_ =	swait.ge @!p0 [sflag:s8], $0x0  }
0x24: {  	s3 =	sadd.s32 $0x88, s3;
	s6 =	simm.s32 @!p1 $0x1082;
	[sflag:s4] =	ssyncset.s32 $0xFFFFF086  }
0x25: {  	[simem:s6], [sflag:s4] =	dma.local [hbm:s3], $0xF7A  }
0x26: {  	[smem:$0x3F9D] =	sst s1;
	(tag) =	ssettag s2;
	_ =	strace s9  }
0x27: {  	s1 =	sld [smem:$0x3FAD]  }
0x28: {  	s2 =	sld [smem:$0x3FAE]  }
0x29: {  	s4 =	sld [smem:$0x3FB0]  }
0x2a: {  	p0 =	seq.s32 s5, $0x0;
	s5 =	sld [smem:$0x3FB1]  }
0x2b: {  	s6 =	sld [smem:$0x3FB2]  }
0x2c: {  	s7 =	sld [smem:$0x3FB3]  }
0x2d: {  	s3 =	simm.s32 $0x108;
	s8 =	sld [smem:$0x3FB4]  }
0x2e: {  	s3 =	simm.s32 @!p0 $0x1082;
	s9 =	sld [smem:$0x3FB5]  }
0x2f: {  	lr =	sadd.s32 s0, s3;
	s0 =	sld [smem:$0x3FAC]  }
0x30: {  	s3 =	sld [smem:$0x3FAF]  }
0x31: {  	[smem:$0x3FB8] =	sst s10  }
0x32: {  	s10 =	sld [smem:$0x3FB6];
	_ =	sdelay $0x3  }
0x33: {  	p0 =	seq.s32 s10, $0x1;
	s10 =	sld [smem:$0x3FB8];
	_ =	sdelay $0x3  }
0x34: {  	[smem:$0x3FB8] =	sst s10  }
0x35: {  	s10 =	sld [smem:$0x3FB7];
	_ =	sdelay $0x3  }
0x36: {  	p1 =	seq.s32 s10, $0x1;
	s10 =	sld [smem:$0x3FB8];
	_ =	sdelay $0x3  }
0x37: {  	[smem:$0x3FB8] =	sst s10  }
0x38: {  	s10 =	sld [smem:$0x3FB9]  }
0x39: {  	_ = 	snop;
	(pc) =	sbr.ind lr, $3  }
0x3a: {  	_ = 	snop  }
0x3b: {  	_ = 	snop  }
0x3c: {  	p2 =	seq.s32 s10, $0x1;
	s10 =	sld [smem:$0x3FB8]  }
0x3d: {  	_ =	shalt  }
0x3e: {  	_ =	shalt  }
0x3f: {  	_ =	shalt  }
0x40: {  	_ =	shalt  }
0x41: {  	_ =	shalt  }
0x42: {  	_ =	shalt  }
0x43: {  	_ =	shalt  }
0x44: {  	_ =	shalt  }
0x45: {  	_ =	shalt  }
0x46: {  	_ =	shalt  }
0x47: {  	_ =	shalt  }
0x48: {  	_ =	shalt  }
0x49: {  	_ =	shalt  }
0x4a: {  	_ =	shalt  }
0x4b: {  	_ =	shalt  }
0x4c: {  	_ =	shalt  }
0x4d: {  	_ =	shalt  }
0x4e: {  	_ =	shalt  }
0x4f: {  	_ =	shalt  }
0x50: {  	_ =	shalt  }
0x51: {  	_ =	shalt  }
0x52: {  	_ =	shalt  }
0x53: {  	_ =	shalt  }
0x54: {  	_ =	shalt  }
0x55: {  	_ =	shalt  }
0x56: {  	_ =	shalt  }
0x57: {  	_ =	shalt  }
0x58: {  	_ =	shalt  }
0x59: {  	_ =	shalt  }
0x5a: {  	_ =	shalt  }
0x5b: {  	_ =	shalt  }
0x5c: {  	_ =	shalt  }
0x5d: {  	_ =	shalt  }
0x5e: {  	_ =	shalt  }
0x5f: {  	_ =	shalt  }
0x60: {  	_ =	shalt  }
0x61: {  	_ =	shalt  }
0x62: {  	_ =	shalt  }
0x63: {  	_ =	shalt  }
0x64: {  	_ =	shalt  }
0x65: {  	_ =	shalt  }
0x66: {  	_ =	shalt  }
0x67: {  	_ =	shalt  }
0x68: {  	_ =	shalt  }
0x69: {  	_ =	shalt  }
0x6a: {  	_ =	shalt  }
0x6b: {  	_ =	shalt  }
0x6c: {  	_ =	shalt  }
0x6d: {  	_ =	shalt  }
0x6e: {  	_ =	shalt  }
0x6f: {  	_ =	shalt  }
0x70: {  	_ =	shalt  }
0x71: {  	_ =	shalt  }
0x72: {  	_ =	shalt  }
0x73: {  	_ =	shalt  }
0x74: {  	_ =	shalt  }
0x75: {  	_ =	shalt  }
0x76: {  	_ =	shalt  }
0x77: {  	_ =	shalt  }
0x78: {  	_ =	shalt  }
0x79: {  	_ =	shalt  }
0x7a: {  	_ =	shalt  }
0x7b: {  	_ =	shalt  }
0x7c: {  	_ =	shalt  }
0x7d: {  	_ =	shalt  }
0x7e: {  	_ =	shalt  }
0x7f: {  	_ =	shalt  }
0x80: {  	_ =	shalt  }
0x81: {  	_ =	shalt  }
0x82: {  	_ =	shalt  }
0x83: {  	_ =	shalt  }
0x84: {  	_ =	shalt  }
0x85: {  	_ =	shalt  }
0x86: {  	_ =	shalt  }
0x87: {  	_ =	shalt  }
.Lfunc_end0:
.L_simem_size_0:
called_computation.1_lowered:
.L_overlay_start_0:
0x88: {  	s2 =	sld [smem:$0x3FD9]  }
0x89: {  	s3 =	sld [smem:$0x3FFE];
	_ =	sdelay $0x1  }
0x8a: {  	s1 =	srdreg.scid  }
0x8b: {  	s0 =	sand.u32 $0x1, s1  }
0x8c: {  	s17 =	sshll.u32 s0, $0xA;
	s2 =	sadd.s32 s3, s2  }
0x8d: {  	s2 =	sadd.s32 s2, s17  }
0x8e: {  	[smem:$0x3FC4] =	sst s2  }
0x8f: {  	_ = 	snop  }
0x90: {  	(tm) =	ssettm $0x1  }
0x91: {  	s18 =	sld [smem:$0x3FFB];
	_ =	sdelay $0x3  }
0x92: {  	_ =	strace s18  }
0x93: {  	s2 =	sld [smem:$0x3FFC];
	_ =	sdelay $0x3  }
0x94: {  	_ =	strace s2  }
0x95: {  	s2 =	sld [smem:$0x3FFD];
	_ =	sdelay $0x3  }
0x96: {  	_ =	strace s2  }
0x97: {  	_ =	strace $0x8FFFFFFF  }
0x98: {  	s19 =	sld [smem:$0x3FDB];
	_ =	sdelay $0x1  }
0x99: {  	s20 =	simm.s32 $_scs_section_size  }
0x9a: {  	s4 =	simm.s32 $_size__tile_overlayer_lowered;
	s5 =	simm.s32 $_tile_overlayer_lowered  }
0x9b: {  	s6 =	simm.s32 $0x1BFF;
	s21 =	sshll.u32 s5, $0x1;
	s3 =	sadd.s32 s20, s19  }
0x9c: {  	s22 =	simm.s32 $0x0;
	s4 =	sshll.u32 s4, $0x1;
	s5 =	sadd.s32 s21, s3  }
0x9d: {  	[timem:s22], [sflag:s6] =	dma.local [hbm:s5], s4  }
0x9e: {  	_ =	swait.ge [sflag:s6], s4  }
0x9f: {  	s4 =	ssub.s32 $0x0, s4;
	[sflag:s6] =	ssyncset.done $0x0  }
0xa0: {  	[sflag:s6] =	ssyncadd.s32 s4;
	_ =	sdelay $0x1  }
0xa1: {  	s23 =	simm.s32 $0x1B8B  }
0xa2: {  	_ =	swait.ge [sflag:s23], $0x1  }
0xa3: {  	[sflag:s23] =	ssyncset.done $0x0  }
0xa4: {  	[sflag:s23] =	ssyncadd.s32 $0xFFFFFFFF  }
0xa5: {  	s4 =	sld [smem:$0x0]  }
0xa6: {  	s5 =	sand.u32 $0xFFFFFFFE, s1  }
0xa7: {  	p0 =	sne.s32 s1, s5  }
0xa8: {  	s5 =	sshll.u32 @p0 s5, $0xE  }
0xa9: {  	s5 =	sadd.s32 @p0 $0x11B8D, s5;
	s6 =	sshll.u32 @p0 s4, $0x11  }
0xaa: {  	s5 =	sor.u32 @p0 s6, s5  }
0xab: {  	[sflag:s5] =	ssyncadd.remote.s32 @p0 $0x1;
	_ =	sdelay $0x1  }
0xac: {  	s5 =	simm.s32 @p0 $0x1B8D  }
0xad: {  	_ =	swait.eq @p0 [sflag:s5], $0x1  }
0xae: {  	[sflag:s5] =	ssyncadd.s32 @p0 $0xFFFFFFFF  }
0xaf: {  	s6 =	sshll.u32 @!p0 s1, $0xE  }
0xb0: {  	s6 =	sor.u32 @!p0 $0x4000, s6;
	s5 =	simm.s32 @!p0 $0x1B8D  }
0xb1: {  	s4 =	sshll.u32 @!p0 s4, $0x11;
	s6 =	sadd.s32 @!p0 $0x11B8D, s6;
	_ =	swait.eq @!p0 [sflag:s5], $0x1  }
0xb2: {  	s4 =	sor.u32 @!p0 s4, s6;
	[sflag:s5] =	ssyncadd.s32 @!p0 $0xFFFFFFFF  }
0xb3: {  	s25 =	simm.s32 $0x1B8E;
	s24 =	sld [smem:$0x3FFE];
	[sflag:s4] =	ssyncadd.remote.s32 @!p0 $0x1  }
0xb4: {  	s26 =	simm.s32 $execute0_lowered;
	[smem:$0x3FD2] =	sst s25  }
0xb5: {  	s5 =	sshll.u32 s26, $0x1;
	_ =	strace $0x80000049;
	[dreg:$0x1] =	wrdreg $0xFFFFFFFF  }
0xb6: {  	s28 =	simm.s32 $_size_execute0_lowered;
	s3 =	sadd.s32 s3, s5;
	[dreg:$0x0] =	wrdreg $0x0  }
0xb7: {  	s5 =	sshll.u32 s28, $0x1;
	[dreg:$0x2] =	wrdreg s3  }
0xb8: {  	[dreg:$0x3] =	wrdreg s5  }
0xb9: {  	[dreg:$0x4] =	wrdreg $0xC0  }
0xba: {  	_ =	task [dreg:s22], $0x5FFFF  }
0xbb: {  	[dreg:$0x1] =	wrdreg $0xFFFFFFFF  }
0xbc: {  	[dreg:$0x0] =	wrdreg $0x60  }
0xbd: {  	[dreg:$0x2] =	wrdreg s24  }
0xbe: {  	[dreg:$0x3] =	wrdreg $0xA  }
0xbf: {  	_ =	task.clear_ibuf [dreg:s22], $0x4FFFF;
	_ =	strace $0x90000049  }
0xc0: {  	s29 =	simm.s32 $0xA;
	_ =	strace $0x8000004B  }
0xc1: {  	_ =	swait.ge [sflag:s29], $0x1  }
0xc2: {  	[sflag:s29] =	ssyncadd.s32 $0xFFFFFFFF  }
0xc3: {  	_ =	strace $0x9000004B  }
0xc4: {  	_ =	sfence  }
0xc5: {  	s30 =	sld [smem:$0x0];
	_ =	sdelay $0x2  }
0xc6: {  	s31 =	sshll.u32 s1, $0xD;
	s1 =	sshrl.u32 s1, $0x2  }
0xc7: {  	s4 =	sand.u32 $0x4000, s31;
	s1 =	sadd.s32 s1, s30  }
0xc8: {  	s0 =	sor.u32 s4, s0;
	s1 =	sshll.u32 s1, $0x11  }
0xc9: {  	s0 =	sor.u32 s1, s0  }
0xca: {  	s0 =	sadd.s32 $0x8F2B, s0  }
0xcb: {  	[sflag:s0] =	ssyncadd.remote.s32 $0x1  }
0xcc: {  	_ =	sfence.sel $0xFFFF  }
0xcd: {  	[dreg:$0x0] =	wrdreg $0xFFFFFFFF;
	(pc) =	sbr.abs _section_cstart, $3  }
0xce: {  	[dreg:$0x1] =	wrdreg $0xFFFFFFFF  }
0xcf: {  	_ =	task.clear_ibuf [dreg:s22], $0x2FFFF;
	_ =	strace $0x9FFFFFFF  }
0xd0: {  	(tm) =	ssettm $0x7FFFFFFF  }
0xd1: {  	_ =	shalt  }
tec
execute0_lowered:
.L_overlay_start_1:
0x0: {  	(tag) =	ssettag $0x1  }
0x1: {  	s1 =	srdreg.scid  }
0x2: {  	s0 =	stileid.u32;
	s4 =	rddreg [dreg:$0x0];
	s2 =	simm.s32 $0x0  }
0x3: {  	s8 =	simm.s32 $0x5;
	s10 =	simm.s32 $0x80;
	s11 =	simm.s32 $0x6400  }
0x4: {  	s12 =	simm.s32 $0x8400;
	s14 =	simm.s32 $0xA400;
	s16 =	simm.s32 $0xC400  }
0x5: {  	s17 =	simm.s32 $0x200;
	s18 =	simm.s32 $0xE400;
	s19 =	simm.s32 $0x1  }
0x6: {  	s20 =	simm.s32 $0x10400;
	s21 =	simm.s32 $0x12400;
	s22 =	simm.s32 $0x14400  }
0x7: {  	s23 =	simm.s32 $0x16400;
	s24 =	simm.s32 $0x18400;
	s25 =	simm.s32 $0x2  }
0x8: {  	s26 =	simm.s32 $0x3;
	s1 =	sand.u32 $0x1, s1;
	s3 =	sshll.u32 s0, $0x1  }
0x9: {  	s28 =	simm.s32 $0x4;
	s29 =	simm.s32 $0x0;
	s3 =	sor.u32 s1, s3  }
0xa: {  	[smem:$0x7FF] =	sst s2;
	s1 =	ssub.s32 $0x2, s1;
	s5 =	smul.u32 $0x640, s3  }
0xb: {  	_ =	strace $0x8000004A;
	s3 =	sadd.s32 $0xF43C00, s4;
	s6 =	sshrl.u32 s1, $0x1  }
0xc: {  	s1 =	ssub.s32 s1, s6;
	s7 =	sadd.s32 s5, s4;
	s4 =	sadd.s32 $0x33A600, s4  }
0xd: {  	s5 =	sadd.s32 $0x32DE00, s7;
	s6 =	sadd.s32 $0x1600, s7;
	s7 =	smax.u32 s1, $0x1  }
.LBB2_1:
0xe: {  	[tilespmem:s2], [sflag:$0x5] =	stream.linear.gather [hbm4b:s5+s2], $0x3200, $0x38;
	[tilespmem:$0x1A400] =	vst v63  }
0xf: {  	_ =	swait.ge [sflag:s8], $0x3200  }
0x10: {  	[sflag:s8] =	ssyncset.done $0x0  }
0x11: {  	s0 =	simm.s32 $0x3200;
	[sflag:s8] =	ssyncadd.s32 $0xFFFFCE00  }
0x12: {  	[tilespmem:s0], [sflag:$0x5] =	stream.linear.gather [hbm4b:s6+s2], $0x3200, $0x38;
	[tilespmem:$0x1A400] =	vst v63  }
0x13: {  	_ =	swait.ge [sflag:s8], $0x3200  }
0x14: {  	[sflag:s8] =	ssyncset.done $0x0  }
0x15: {  	[sflag:s8] =	ssyncadd.s32 $0xFFFFCE00  }
0x16: {  	[tilespmem:s11], [sflag:$0x1] =	stream.indirect.gather [hbm4b:s3+s10], $0x40, s2, s10, $0xb8;
	[tilespmem:$0x1A400] =	vst v63  }
0x17: {  	_ = 	snop  }
0x18: {  	[tilespmem:s12], [sflag:$0x1] =	stream.indirect.gather [hbm4b:s3+s10], $0x40, s10, s10, $0xb8;
	[tilespmem:$0x1A400] =	vst v63  }
0x19: {  	s31 =	simm.s32 $0x100  }
0x1a: {  	[tilespmem:s14], [sflag:$0x1] =	stream.indirect.gather [hbm4b:s3+s10], $0x40, s31, s10, $0xb8;
	[tilespmem:$0x1A400] =	vst v63  }
0x1b: {  	s1 =	simm.s32 $0x180  }
0x1c: {  	[tilespmem:s16], [sflag:$0x1] =	stream.indirect.gather [hbm4b:s3+s10], $0x40, s1, s10, $0xb8;
	[tilespmem:$0x1A400] =	vst v63  }
0x1d: {  	_ = 	snop  }
0x1e: {  	[tilespmem:s18], [sflag:$0x1] =	stream.indirect.gather [hbm4b:s3+s10], $0x40, s17, s10, $0xb8;
	[tilespmem:$0x1A400] =	vst v63  }
0x1f: {  	_ =	swait.ge [sflag:s19], $0x2000  }
0x20: {  	[sflag:s19] =	ssyncset.done $0x0  }
0x21: {  	[sflag:s19] =	ssyncadd.s32 $0xFFFFE000  }
0x22: {  	_ =	swait.ge [sflag:s19], $0x2000  }
0x23: {  	[sflag:s19] =	ssyncset.done $0x0  }
0x24: {  	[sflag:s19] =	ssyncadd.s32 $0xFFFFE000  }
0x25: {  	_ =	swait.ge [sflag:s19], $0x2000  }
0x26: {  	[sflag:s19] =	ssyncset.done $0x0  }
0x27: {  	[sflag:s19] =	ssyncadd.s32 $0xFFFFE000  }
0x28: {  	_ =	swait.ge [sflag:s19], $0x2000  }
0x29: {  	[sflag:s19] =	ssyncset.done $0x0  }
0x2a: {  	[sflag:s19] =	ssyncadd.s32 $0xFFFFE000  }
0x2b: {  	_ =	swait.ge [sflag:s19], $0x2000  }
0x2c: {  	p0 =	por $0x1, $0x1;
	[sflag:s19] =	ssyncset.done $0x0  }
0x2d: {  	s1 =	simm.s32 @!p0 $0x4;
	[sflag:s19] =	ssyncadd.s32 $0xFFFFE000  }
0x2e: {  	_ =	swait.ge @!p0 [sflag:s1], $0x2000  }
0x2f: {  	[sflag:s1] =	ssyncset.done @!p0 $0x0  }
0x30: {  	[sflag:s1] =	ssyncadd.s32 @!p0 $0xFFFFE000  }
0x31: {  	_ =	swait.ge @!p0 [sflag:s1], $0x2000  }
0x32: {  	[sflag:s1] =	ssyncset.done @!p0 $0x0  }
0x33: {  	[sflag:s1] =	ssyncadd.s32 @!p0 $0xFFFFE000  }
0x34: {  	_ =	swait.ge @!p0 [sflag:s1], $0x2000  }
0x35: {  	[sflag:s1] =	ssyncset.done @!p0 $0x0  }
0x36: {  	[sflag:s1] =	ssyncadd.s32 @!p0 $0xFFFFE000  }
0x37: {  	_ =	swait.ge @!p0 [sflag:s1], $0x2000  }
0x38: {  	[sflag:s1] =	ssyncset.done @!p0 $0x0  }
0x39: {  	[sflag:s1] =	ssyncadd.s32 @!p0 $0xFFFFE000  }
0x3a: {  	_ =	swait.ge @!p0 [sflag:s1], $0x2000  }
0x3b: {  	[sflag:s1] =	ssyncset.done @!p0 $0x0  }
0x3c: {  	s9 =	simm.s32 $0x280;
	[sflag:s1] =	ssyncadd.s32 @!p0 $0xFFFFE000  }
0x3d: {  	[tilespmem:s20], [sflag:$0x2] =	stream.indirect.gather [hbm4b:s3+s10], $0x40, s9, s10, $0xb8;
	[tilespmem:$0x1A400] =	vst v63  }
0x3e: {  	s13 =	simm.s32 $0x300  }
0x3f: {  	[tilespmem:s21], [sflag:$0x2] =	stream.indirect.gather [hbm4b:s3+s10], $0x40, s13, s10, $0xb8;
	[tilespmem:$0x1A400] =	vst v63  }
0x40: {  	s15 =	simm.s32 $0x380  }
0x41: {  	[tilespmem:s22], [sflag:$0x2] =	stream.indirect.gather [hbm4b:s3+s10], $0x40, s15, s10, $0xb8;
	[tilespmem:$0x1A400] =	vst v63  }
0x42: {  	s31 =	simm.s32 $0x400  }
0x43: {  	[tilespmem:s23], [sflag:$0x2] =	stream.indirect.gather [hbm4b:s3+s10], $0x40, s31, s10, $0xb8;
	[tilespmem:$0x1A400] =	vst v63  }
0x44: {  	s0 =	simm.s32 $0x480  }
0x45: {  	[tilespmem:s24], [sflag:$0x2] =	stream.indirect.gather [hbm4b:s3+s10], $0x40, s0, s10, $0xb8;
	[tilespmem:$0x1A400] =	vst v63  }
0x46: {  	s9 =	simm.s32 $0x3200  }
0x47: {  	[hbm4b:s4+s10] =	stream.indirect.scatter [tilespmem:s11], [sflag:$0x3], $0x40, s9, s10, $0xb8;
	[tilespmem:$0x1A400] =	vst v63  }
0x48: {  	s13 =	simm.s32 $0x3280  }
0x49: {  	[hbm4b:s4+s10] =	stream.indirect.scatter [tilespmem:s12], [sflag:$0x3], $0x40, s13, s10, $0xb8;
	[tilespmem:$0x1A400] =	vst v63  }
0x4a: {  	s15 =	simm.s32 $0x3300  }
0x4b: {  	[hbm4b:s4+s10] =	stream.indirect.scatter [tilespmem:s14], [sflag:$0x3], $0x40, s15, s10, $0xb8;
	[tilespmem:$0x1A400] =	vst v63  }
0x4c: {  	s31 =	simm.s32 $0x3380  }
0x4d: {  	[hbm4b:s4+s10] =	stream.indirect.scatter [tilespmem:s16], [sflag:$0x3], $0x40, s31, s10, $0xb8;
	[tilespmem:$0x1A400] =	vst v63  }
0x4e: {  	s0 =	simm.s32 $0x3400  }
0x4f: {  	[hbm4b:s4+s10] =	stream.indirect.scatter [tilespmem:s18], [sflag:$0x3], $0x40, s0, s10, $0xb8;
	[tilespmem:$0x1A400] =	vst v63  }
0x50: {  	_ =	swait.ge [sflag:s25], $0x2000  }
0x51: {  	[sflag:s25] =	ssyncset.done $0x0  }
0x52: {  	[sflag:s25] =	ssyncadd.s32 $0xFFFFE000  }
0x53: {  	_ =	swait.ge [sflag:s25], $0x2000  }
0x54: {  	[sflag:s25] =	ssyncset.done $0x0  }
0x55: {  	[sflag:s25] =	ssyncadd.s32 $0xFFFFE000  }
0x56: {  	_ =	swait.ge [sflag:s25], $0x2000  }
0x57: {  	[sflag:s25] =	ssyncset.done $0x0  }
0x58: {  	[sflag:s25] =	ssyncadd.s32 $0xFFFFE000  }
0x59: {  	_ =	swait.ge [sflag:s25], $0x2000  }
0x5a: {  	[sflag:s25] =	ssyncset.done $0x0  }
0x5b: {  	[sflag:s25] =	ssyncadd.s32 $0xFFFFE000  }
0x5c: {  	_ =	swait.ge [sflag:s25], $0x2000  }
0x5d: {  	[sflag:s25] =	ssyncset.done $0x0  }
0x5e: {  	[sflag:s25] =	ssyncadd.s32 $0xFFFFE000  }
0x5f: {  	_ =	swait.ge [sflag:s26], $0x2000  }
0x60: {  	[sflag:s26] =	ssyncset.done $0x0  }
0x61: {  	[sflag:s26] =	ssyncadd.s32 $0xFFFFE000  }
0x62: {  	_ =	swait.ge [sflag:s26], $0x2000  }
0x63: {  	[sflag:s26] =	ssyncset.done $0x0  }
0x64: {  	[sflag:s26] =	ssyncadd.s32 $0xFFFFE000  }
0x65: {  	_ =	swait.ge [sflag:s26], $0x2000  }
0x66: {  	[sflag:s26] =	ssyncset.done $0x0  }
0x67: {  	[sflag:s26] =	ssyncadd.s32 $0xFFFFE000  }
0x68: {  	_ =	swait.ge [sflag:s26], $0x2000  }
0x69: {  	[sflag:s26] =	ssyncset.done $0x0  }
0x6a: {  	[sflag:s26] =	ssyncadd.s32 $0xFFFFE000  }
0x6b: {  	p0 =	por $0x0, $0x0;
	_ =	swait.ge [sflag:s26], $0x2000  }
0x6c: {  	s1 =	simm.s32 @!p0 $0x6400;
	[sflag:s26] =	ssyncset.done $0x0  }
0x6d: {  	s30 =	simm.s32 @!p0 $0x500;
	s31 =	simm.s32 @!p0 $0x80;
	[sflag:s26] =	ssyncadd.s32 $0xFFFFE000  }
0x6e: {  	[tilespmem:s1], [sflag:$0x1] =	stream.indirect.gather @!p0 [hbm4b:s3+s31], $0x40, s30, s31, $0xb8;
	[tilespmem:$0x1A400] =	vst v63  }
0x6f: {  	s1 =	simm.s32 @!p0 $0x580;
	s30 =	simm.s32 @!p0 $0x8400  }
0x70: {  	[tilespmem:s30], [sflag:$0x1] =	stream.indirect.gather @!p0 [hbm4b:s3+s31], $0x40, s1, s31, $0xb8;
	[tilespmem:$0x1A400] =	vst v63  }
0x71: {  	s1 =	simm.s32 @!p0 $0x600;
	s30 =	simm.s32 @!p0 $0xA400  }
0x72: {  	[tilespmem:s30], [sflag:$0x1] =	stream.indirect.gather @!p0 [hbm4b:s3+s31], $0x40, s1, s31, $0xb8;
	[tilespmem:$0x1A400] =	vst v63  }
0x73: {  	s1 =	simm.s32 @!p0 $0x680;
	s30 =	simm.s32 @!p0 $0xC400  }
0x74: {  	[tilespmem:s30], [sflag:$0x1] =	stream.indirect.gather @!p0 [hbm4b:s3+s31], $0x40, s1, s31, $0xb8;
	[tilespmem:$0x1A400] =	vst v63  }
0x75: {  	s1 =	simm.s32 @!p0 $0x700;
	s30 =	simm.s32 @!p0 $0xE400  }
0x76: {  	[tilespmem:s30], [sflag:$0x1] =	stream.indirect.gather @!p0 [hbm4b:s3+s31], $0x40, s1, s31, $0xb8;
	[tilespmem:$0x1A400] =	vst v63  }
0x77: {  	s9 =	simm.s32 $0x3480  }
0x78: {  	[hbm4b:s4+s10] =	stream.indirect.scatter [tilespmem:s20], [sflag:$0x4], $0x40, s9, s10, $0xb8;
	[tilespmem:$0x1A400] =	vst v63  }
0x79: {  	s13 =	simm.s32 $0x3500  }
0x7a: {  	[hbm4b:s4+s10] =	stream.indirect.scatter [tilespmem:s21], [sflag:$0x4], $0x40, s13, s10, $0xb8;
	[tilespmem:$0x1A400] =	vst v63  }
0x7b: {  	s15 =	simm.s32 $0x3580  }
0x7c: {  	[hbm4b:s4+s10] =	stream.indirect.scatter [tilespmem:s22], [sflag:$0x4], $0x40, s15, s10, $0xb8;
	[tilespmem:$0x1A400] =	vst v63  }
0x7d: {  	s31 =	simm.s32 $0x3600;
	s30 =	simm.s32 $0x1400;
	s1 =	simm.s32 $0x3680  }
0x7e: {  	[hbm4b:s4+s10] =	stream.indirect.scatter [tilespmem:s23], [sflag:$0x4], $0x40, s31, s10, $0xb8;
	[tilespmem:$0x1A400] =	vst v63  }
.LBB2_2:
0x7f: {  	[hbm4b:s4+s10] =	stream.indirect.scatter [tilespmem:s24], [sflag:$0x4], $0x40, s1, s10, $0xb8;
	[tilespmem:$0x1A400] =	vst v63  }
0x80: {  	s31 =	smov.u32 s30;
	s30 =	sadd.s32 $0x1400, s30;
	_ =	swait.ge [sflag:s19], $0x2000  }
0x81: {  	p0 =	sne.s32 s30, $0xC800;
	[sflag:s19] =	ssyncset.done $0x0  }
0x82: {  	[sflag:s19] =	ssyncadd.s32 $0xFFFFE000  }
0x83: {  	_ =	swait.ge [sflag:s19], $0x2000  }
0x84: {  	[sflag:s19] =	ssyncset.done $0x0  }
0x85: {  	[sflag:s19] =	ssyncadd.s32 $0xFFFFE000  }
0x86: {  	_ =	swait.ge [sflag:s19], $0x2000  }
0x87: {  	[sflag:s19] =	ssyncset.done $0x0  }
0x88: {  	[sflag:s19] =	ssyncadd.s32 $0xFFFFE000  }
0x89: {  	_ =	swait.ge [sflag:s19], $0x2000  }
0x8a: {  	[sflag:s19] =	ssyncset.done $0x0  }
0x8b: {  	[sflag:s19] =	ssyncadd.s32 $0xFFFFE000  }
0x8c: {  	_ =	swait.ge [sflag:s19], $0x2000  }
0x8d: {  	p1 =	seq.s32 s31, $0x0;
	[sflag:s19] =	ssyncset.done $0x0  }
0x8e: {  	s0 =	simm.s32 @!p1 $0x4;
	[sflag:s19] =	ssyncadd.s32 $0xFFFFE000  }
0x8f: {  	_ =	swait.ge @!p1 [sflag:s0], $0x2000  }
0x90: {  	[sflag:s0] =	ssyncset.done @!p1 $0x0  }
0x91: {  	[sflag:s0] =	ssyncadd.s32 @!p1 $0xFFFFE000  }
0x92: {  	_ =	swait.ge @!p1 [sflag:s0], $0x2000  }
0x93: {  	[sflag:s0] =	ssyncset.done @!p1 $0x0  }
0x94: {  	[sflag:s0] =	ssyncadd.s32 @!p1 $0xFFFFE000  }
0x95: {  	_ =	swait.ge @!p1 [sflag:s0], $0x2000  }
0x96: {  	[sflag:s0] =	ssyncset.done @!p1 $0x0  }
0x97: {  	[sflag:s0] =	ssyncadd.s32 @!p1 $0xFFFFE000  }
0x98: {  	_ =	swait.ge @!p1 [sflag:s0], $0x2000  }
0x99: {  	[sflag:s0] =	ssyncset.done @!p1 $0x0  }
0x9a: {  	[sflag:s0] =	ssyncadd.s32 @!p1 $0xFFFFE000  }
0x9b: {  	_ =	swait.ge @!p1 [sflag:s0], $0x2000  }
0x9c: {  	s1 =	sshra.s32 s31, $0x2;
	[sflag:s0] =	ssyncset.done @!p1 $0x0  }
0x9d: {  	[sflag:s0] =	ssyncadd.s32 @!p1 $0xFFFFE000;
	s0 =	sadd.s32 $0x280, s1  }
0x9e: {  	[tilespmem:s20], [sflag:$0x2] =	stream.indirect.gather [hbm4b:s3+s10], $0x40, s0, s10, $0xb8;
	[tilespmem:$0x1A400] =	vst v63  }
0x9f: {  	s0 =	sadd.s32 $0x300, s1  }
0xa0: {  	[tilespmem:s21], [sflag:$0x2] =	stream.indirect.gather [hbm4b:s3+s10], $0x40, s0, s10, $0xb8;
	[tilespmem:$0x1A400] =	vst v63  }
0xa1: {  	s0 =	sadd.s32 $0x380, s1  }
0xa2: {  	[tilespmem:s22], [sflag:$0x2] =	stream.indirect.gather [hbm4b:s3+s10], $0x40, s0, s10, $0xb8;
	[tilespmem:$0x1A400] =	vst v63  }
0xa3: {  	s0 =	sadd.s32 $0x400, s1  }
0xa4: {  	[tilespmem:s23], [sflag:$0x2] =	stream.indirect.gather [hbm4b:s3+s10], $0x40, s0, s10, $0xb8;
	[tilespmem:$0x1A400] =	vst v63  }
0xa5: {  	s0 =	sadd.s32 $0x480, s1  }
0xa6: {  	[tilespmem:s24], [sflag:$0x2] =	stream.indirect.gather [hbm4b:s3+s10], $0x40, s0, s10, $0xb8;
	[tilespmem:$0x1A400] =	vst v63  }
0xa7: {  	s0 =	sadd.s32 $0x3200, s1  }
0xa8: {  	[hbm4b:s4+s10] =	stream.indirect.scatter [tilespmem:s11], [sflag:$0x3], $0x40, s0, s10, $0xb8;
	[tilespmem:$0x1A400] =	vst v63  }
0xa9: {  	s0 =	sadd.s32 $0x3280, s1  }
0xaa: {  	[hbm4b:s4+s10] =	stream.indirect.scatter [tilespmem:s12], [sflag:$0x3], $0x40, s0, s10, $0xb8;
	[tilespmem:$0x1A400] =	vst v63  }
0xab: {  	s0 =	sadd.s32 $0x3300, s1  }
0xac: {  	[hbm4b:s4+s10] =	stream.indirect.scatter [tilespmem:s14], [sflag:$0x3], $0x40, s0, s10, $0xb8;
	[tilespmem:$0x1A400] =	vst v63  }
0xad: {  	s0 =	sadd.s32 $0x3380, s1  }
0xae: {  	[hbm4b:s4+s10] =	stream.indirect.scatter [tilespmem:s16], [sflag:$0x3], $0x40, s0, s10, $0xb8;
	[tilespmem:$0x1A400] =	vst v63  }
0xaf: {  	s0 =	sadd.s32 $0x3400, s1  }
0xb0: {  	[hbm4b:s4+s10] =	stream.indirect.scatter [tilespmem:s18], [sflag:$0x3], $0x40, s0, s10, $0xb8;
	[tilespmem:$0x1A400] =	vst v63  }
0xb1: {  	_ =	swait.ge [sflag:s25], $0x2000  }
0xb2: {  	[sflag:s25] =	ssyncset.done $0x0  }
0xb3: {  	[sflag:s25] =	ssyncadd.s32 $0xFFFFE000  }
0xb4: {  	_ =	swait.ge [sflag:s25], $0x2000  }
0xb5: {  	[sflag:s25] =	ssyncset.done $0x0  }
0xb6: {  	[sflag:s25] =	ssyncadd.s32 $0xFFFFE000  }
0xb7: {  	_ =	swait.ge [sflag:s25], $0x2000  }
0xb8: {  	[sflag:s25] =	ssyncset.done $0x0  }
0xb9: {  	[sflag:s25] =	ssyncadd.s32 $0xFFFFE000  }
0xba: {  	_ =	swait.ge [sflag:s25], $0x2000  }
0xbb: {  	[sflag:s25] =	ssyncset.done $0x0  }
0xbc: {  	[sflag:s25] =	ssyncadd.s32 $0xFFFFE000  }
0xbd: {  	_ =	swait.ge [sflag:s25], $0x2000  }
0xbe: {  	[sflag:s25] =	ssyncset.done $0x0  }
0xbf: {  	[sflag:s25] =	ssyncadd.s32 $0xFFFFE000  }
0xc0: {  	_ =	swait.ge [sflag:s26], $0x2000  }
0xc1: {  	[sflag:s26] =	ssyncset.done $0x0  }
0xc2: {  	[sflag:s26] =	ssyncadd.s32 $0xFFFFE000  }
0xc3: {  	_ =	swait.ge [sflag:s26], $0x2000  }
0xc4: {  	[sflag:s26] =	ssyncset.done $0x0  }
0xc5: {  	[sflag:s26] =	ssyncadd.s32 $0xFFFFE000  }
0xc6: {  	_ =	swait.ge [sflag:s26], $0x2000  }
0xc7: {  	[sflag:s26] =	ssyncset.done $0x0  }
0xc8: {  	[sflag:s26] =	ssyncadd.s32 $0xFFFFE000  }
0xc9: {  	_ =	swait.ge [sflag:s26], $0x2000  }
0xca: {  	[sflag:s26] =	ssyncset.done $0x0  }
0xcb: {  	[sflag:s26] =	ssyncadd.s32 $0xFFFFE000  }
0xcc: {  	p1 =	seq.s32 s31, $0xB400;
	_ =	swait.ge [sflag:s26], $0x2000  }
0xcd: {  	s0 =	sshra.s32 @!p1 s31, $0x2;
	s31 =	simm.s32 @!p1 $0x6400;
	[sflag:s26] =	ssyncset.done $0x0  }
0xce: {  	s13 =	simm.s32 @!p1 $0x80;
	s9 =	sadd.s32 @!p1 $0x500, s0;
	[sflag:s26] =	ssyncadd.s32 $0xFFFFE000  }
0xcf: {  	[tilespmem:s31], [sflag:$0x1] =	stream.indirect.gather @!p1 [hbm4b:s3+s13], $0x40, s9, s13, $0xb8;
	[tilespmem:$0x1A400] =	vst v63  }
0xd0: {  	s15 =	sadd.s32 @!p1 $0x600, s0;
	s9 =	sadd.s32 @!p1 $0x580, s0;
	s31 =	simm.s32 @!p1 $0x8400  }
0xd1: {  	[tilespmem:s31], [sflag:$0x1] =	stream.indirect.gather @!p1 [hbm4b:s3+s13], $0x40, s9, s13, $0xb8;
	[tilespmem:$0x1A400] =	vst v63  }
0xd2: {  	s9 =	simm.s32 @!p1 $0xA400;
	s31 =	sadd.s32 @!p1 $0x680, s0;
	s0 =	sadd.s32 @!p1 $0x700, s0  }
0xd3: {  	[tilespmem:s9], [sflag:$0x1] =	stream.indirect.gather @!p1 [hbm4b:s3+s13], $0x40, s15, s13, $0xb8;
	[tilespmem:$0x1A400] =	vst v63  }
0xd4: {  	s9 =	simm.s32 @!p1 $0xC400  }
0xd5: {  	[tilespmem:s9], [sflag:$0x1] =	stream.indirect.gather @!p1 [hbm4b:s3+s13], $0x40, s31, s13, $0xb8;
	[tilespmem:$0x1A400] =	vst v63  }
0xd6: {  	s9 =	simm.s32 @!p1 $0xE400  }
0xd7: {  	[tilespmem:s9], [sflag:$0x1] =	stream.indirect.gather @!p1 [hbm4b:s3+s13], $0x40, s0, s13, $0xb8;
	[tilespmem:$0x1A400] =	vst v63  }
0xd8: {  	s0 =	sadd.s32 $0x3480, s1  }
0xd9: {  	[hbm4b:s4+s10] =	stream.indirect.scatter [tilespmem:s20], [sflag:$0x4], $0x40, s0, s10, $0xb8;
	[tilespmem:$0x1A400] =	vst v63  }
0xda: {  	s0 =	sadd.s32 $0x3500, s1  }
0xdb: {  	[hbm4b:s4+s10] =	stream.indirect.scatter [tilespmem:s21], [sflag:$0x4], $0x40, s0, s10, $0xb8;
	[tilespmem:$0x1A400] =	vst v63  }
.Ltmp0:
0xdc: {  	s0 =	sadd.s32 $0x3580, s1;
	(pc) =	sbr.rel @p0 .LBB2_2-.Ltmp0, $4  }
0xdd: {  	[hbm4b:s4+s10] =	stream.indirect.scatter [tilespmem:s22], [sflag:$0x4], $0x40, s0, s10, $0xb8;
	[tilespmem:$0x1A400] =	vst v63  }
0xde: {  	s0 =	sadd.s32 $0x3600, s1  }
0xdf: {  	[hbm4b:s4+s10] =	stream.indirect.scatter [tilespmem:s23], [sflag:$0x4], $0x40, s0, s10, $0xb8;
	[tilespmem:$0x1A400] =	vst v63  }
0xe0: {  	s1 =	sadd.s32 $0x3680, s1  }
0xe1: {  	[hbm4b:s4+s10] =	stream.indirect.scatter [tilespmem:s24], [sflag:$0x4], $0x40, s1, s10, $0xb8;
	[tilespmem:$0x1A400] =	vst v63  }
0xe2: {  	_ =	swait.ge [sflag:s28], $0x2000  }
0xe3: {  	[sflag:s28] =	ssyncset.done $0x0  }
0xe4: {  	[sflag:s28] =	ssyncadd.s32 $0xFFFFE000  }
0xe5: {  	_ =	swait.ge [sflag:s28], $0x2000  }
0xe6: {  	[sflag:s28] =	ssyncset.done $0x0  }
0xe7: {  	[sflag:s28] =	ssyncadd.s32 $0xFFFFE000  }
0xe8: {  	_ =	swait.ge [sflag:s28], $0x2000  }
0xe9: {  	[sflag:s28] =	ssyncset.done $0x0  }
0xea: {  	s29 =	sadd.s32 $0x1, s29;
	[sflag:s28] =	ssyncadd.s32 $0xFFFFE000  }
0xeb: {  	p0 =	sne.s32 s29, s7;
	_ =	swait.ge [sflag:s28], $0x2000  }
.Ltmp1:
0xec: {  	[sflag:s28] =	ssyncset.done $0x0;
	(pc) =	sbr.rel @p0 .LBB2_1-.Ltmp1, $4  }
0xed: {  	[sflag:s28] =	ssyncadd.s32 $0xFFFFE000  }
0xee: {  	_ =	swait.ge [sflag:s28], $0x2000  }
0xef: {  	[sflag:s28] =	ssyncset.done $0x0  }
0xf0: {  	[sflag:s28] =	ssyncadd.s32 $0xFFFFE000  }
0xf1: {  	_ =	sfence.sel $0x180000  }
0xf2: {  	[bflag:$0x0] =	sbarrier.arrive $0xFFFF  }
0xf3: {  	_ =	strace $0x9000004A  }
0xf4: {  	s0 =	stileid.u32;
	[bflag:$0x2] =	sbarrier.arrive $0xFFFF  }
0xf5: {  	p0 =	sne.s32 s0, $0x0;
	s0 =	rddreg [dreg:$0x1]  }
0xf6: {  	s0 =	sadd.s32 @!p0 $0x100000, s0  }
0xf7: {  	[sflag:s0] =	ssyncadd.tile.s32 @!p0 $0x1;
	_ =	shalt  }
.Lfunc_end2:
_tile_overlayer_lowered:
.L_overlay_start_2:
0xf8: {  	(tag) =	ssettag $0x2  }
0xf9: {  	s0 =	rddreg [dreg:$0x0];
	s2 =	stileid.u32  }
0xfa: {  	s1 =	rddreg [dreg:$0x1];
	p0 =	sne.s32 s2, $0x0  }
0xfb: {  	s3 =	rddreg [dreg:$0x2];
	[bflag:$0x3] =	sbarrier.arrive $0xFFFF;
	s2 =	simm.s32 @!p0 $0x1C05  }
0xfc: {  	[timem:s3], [sflag:s2] =	dma.local @!p0 [hbm:s0], s1  }
0xfd: {  	s0 =	simm.s32 @!p0 $0x5  }
0xfe: {  	_ =	swait.ge @!p0 [sflag:s0], s1  }
0xff: {  	s1 =	ssub.s32 @!p0 $0x0, s1;
	[sflag:s0] =	ssyncset.done @!p0 $0x0  }
0x100: {  	[sflag:s0] =	ssyncadd.s32 @!p0 s1  }
0x101: {  	[bflag:$0x3] =	sbarrier.arrive $0xFFFF  }
0x102: {  	_ =	shalt  }

</sc_bundles>
